<compile_context>
chip_gen: v7x
topology: tpu7x:2x2x1
jax: 0.10.2.dev20260603
libtpu: 0.0.44.dev20260713+nightly
codegen_flags: <defaults>
</compile_context>

<pallas_src>
import functools

import jax
import jax.numpy as jnp
from jax import lax
from jax.experimental import pallas as pl
from jax.experimental.pallas import tpu as pltpu
from jax.experimental.pallas import tpu_sc as plsc

_N = 10000
_E = 320000
_D = 128
_NC = 2
_NS = 16
_NW = _NC * _NS
_EPW = _E // _NW
_NH = _N // _NC
_CAP = 5376
_CAPV = _CAP + 16
_NP = 5248
_RPT = _NP // _NS
_CH = 128
_NCHUNK = _NW * _CAP // _NS // _CH
_CPP = _CAP // _CH

_mesh = plsc.VectorSubcoreMesh(core_axis_name="c", subcore_axis_name="s")


@functools.partial(
    pl.kernel,
    out_type=(jax.ShapeDtypeStruct((_NC, _NW, _CAP), jnp.int32),
              jax.ShapeDtypeStruct((_NC, _NW, _CAP), jnp.int32)),
    mesh=_mesh,
    compiler_params=pltpu.CompilerParams(needs_layout_passes=False),
    scratch_types=[
        pltpu.VMEM((_EPW,), jnp.int32),
        pltpu.VMEM((_EPW,), jnp.int32),
        pltpu.VMEM((_CAPV,), jnp.int32),
        pltpu.VMEM((_CAPV,), jnp.int32),
        pltpu.VMEM((_CAPV,), jnp.int32),
        pltpu.VMEM((_CAPV,), jnp.int32),
        pltpu.SemaphoreType.DMA,
        pltpu.SemaphoreType.DMA,
    ],
)
def _sc_route(src_hbm, dst_hbm, bsrc_hbm, bdst_hbm,
              src_v, dst_v, b0s, b0d, b1s, b1d, sem_in, sem_out):
    c = lax.axis_index("c")
    s = lax.axis_index("s")
    w = c * _NS + s

    cp_s = pltpu.async_copy(src_hbm.at[pl.ds(w * _EPW, _EPW)], src_v, sem_in)
    cp_d = pltpu.async_copy(dst_hbm.at[pl.ds(w * _EPW, _EPW)], dst_v, sem_in)

    lanes = lax.iota(jnp.int32, 16)
    pad_d = jnp.full((16,), _NH, jnp.int32)

    def fill(i, _):
        pad_s = (16 * i + lanes) % _N
        b0s[pl.ds(16 * i, 16)] = pad_s
        b0d[pl.ds(16 * i, 16)] = pad_d
        b1s[pl.ds(16 * i, 16)] = pad_s
        b1d[pl.ds(16 * i, 16)] = pad_d
        return 0

    lax.fori_loop(0, _CAPV // 16, fill, 0)
    cp_s.wait()
    cp_d.wait()

    def route(i, offs):
        o0, o1 = offs
        sv = src_v[pl.ds(16 * i, 16)]
        dv = dst_v[pl.ds(16 * i, 16)]
        dsort, ssort = plsc.sort_key_val(dv, sv)
        m0 = dsort < _NH
        n0 = plsc.all_reduce_population_count(m0)[0]
        b0s[pl.ds(o0, 16)] = ssort
        b0d[pl.ds(o0, 16)] = dsort
        srev = lax.rev(ssort, (0,))
        drev = lax.rev(dsort, (0,))
        b1s[pl.ds(o1, 16)] = srev
        b1d[pl.ds(o1, 16)] = drev - _NH
        o0 = jnp.minimum(o0 + n0, _CAP)
        o1 = jnp.minimum(o1 + (16 - n0), _CAP)
        return (o0, o1)

    o0, o1 = lax.fori_loop(0, _EPW // 16, route,
                           (jnp.int32(0), jnp.int32(0)))
    b0s[pl.ds(o0, 16)] = lanes
    b0d[pl.ds(o0, 16)] = pad_d
    b1s[pl.ds(o1, 16)] = lanes
    b1d[pl.ds(o1, 16)] = pad_d

    cps = [pltpu.async_copy(b0s.at[pl.ds(0, _CAP)], bsrc_hbm.at[0, w], sem_out),
           pltpu.async_copy(b0d.at[pl.ds(0, _CAP)], bdst_hbm.at[0, w], sem_out),
           pltpu.async_copy(b1s.at[pl.ds(0, _CAP)], bsrc_hbm.at[1, w], sem_out),
           pltpu.async_copy(b1d.at[pl.ds(0, _CAP)], bdst_hbm.at[1, w], sem_out)]
    for cp in cps:
        cp.wait()


@functools.partial(
    pl.kernel,
    out_type=jax.ShapeDtypeStruct((_NC, _NP, _D), jnp.float32),
    mesh=_mesh,
    scratch_types=[
        pltpu.VMEM((_NCHUNK, _CH), jnp.int32),
        pltpu.VMEM((_NCHUNK, _CH), jnp.int32),
        pltpu.VMEM((_CH, _D), jnp.float32),
        pltpu.VMEM((_CH, _D), jnp.float32),
        pltpu.VMEM((_CH, _D), jnp.float32),
        pltpu.VMEM((_CH, _D), jnp.float32),
        pltpu.VMEM_SHARED((_NP, _D), jnp.float32),
        pltpu.SemaphoreType.DMA,
        pltpu.SemaphoreType.DMA,
        pltpu.SemaphoreType.DMA,
        pltpu.SemaphoreType.DMA,
    ],
)
def _sc_gather_scatter(feat_hbm, src_hbm, dst_hbm, zeros_hbm, out_hbm,
                       src_v, dst_v, b0, b1, b2, b3, h_sh,
                       s0, s1, s2, s3):
    c = lax.axis_index("c")
    s = lax.axis_index("s")
    r0 = s * _RPT
    bufs = (b0, b1, b2, b3)
    sems = (s0, s1, s2, s3)

    cps = [pltpu.async_copy(zeros_hbm.at[pl.ds(r0, _RPT)],
                            h_sh.at[pl.ds(r0, _RPT)], s0),
           pltpu.async_copy(src_hbm.at[c, 2 * s],
                            src_v.at[pl.ds(0, _CPP)], s1),
           pltpu.async_copy(src_hbm.at[c, 2 * s + 1],
                            src_v.at[pl.ds(_CPP, _CPP)], s2),
           pltpu.async_copy(dst_hbm.at[c, 2 * s],
                            dst_v.at[pl.ds(0, _CPP)], s3),
           pltpu.async_copy(dst_hbm.at[c, 2 * s + 1],
                            dst_v.at[pl.ds(_CPP, _CPP)], s0)]
    for cp in cps:
        cp.wait()
    plsc.subcore_barrier()

    def wait_gather(buf, sem):
        pltpu.make_async_copy(feat_hbm.at[pl.ds(0, _CH)], buf, sem).wait()

    for b in range(4):
        pltpu.async_copy(feat_hbm.at[src_v.at[b]], bufs[b], sems[b])

    def step(k, _):
        j = 4 * k
        for b in range(4):
            wait_gather(bufs[b], sems[b])
            pltpu.sync_copy(bufs[b], h_sh.at[dst_v.at[j + b]], add=True)
            pltpu.async_copy(feat_hbm.at[src_v.at[j + b + 4]],
                             bufs[b], sems[b])
        return 0

    lax.fori_loop(0, _NCHUNK // 4 - 1, step, 0)
    for b in range(4):
        wait_gather(bufs[b], sems[b])
        pltpu.sync_copy(bufs[b], h_sh.at[dst_v.at[_NCHUNK - 4 + b]],
                        add=True)

    plsc.subcore_barrier()
    pltpu.sync_copy(h_sh.at[pl.ds(r0, _RPT)],
                    out_hbm.at[c, pl.ds(r0, _RPT)])


def _lin_body(h_ref, w_ref, b_ref, o_ref):
    o_ref[...] = lax.dot_general(
        h_ref[0], w_ref[...], (((1,), (1,)), ((), ())),
        preferred_element_type=jnp.float32) + b_ref[...]


_linear = pl.pallas_call(
    _lin_body,
    grid=(10,),
    in_specs=[
        pl.BlockSpec((1, 1000, _D), lambda i: (i // 5, i % 5, 0)),
        pl.BlockSpec((_D, _D), lambda i: (0, 0)),
        pl.BlockSpec((1, _D), lambda i: (0, 0)),
    ],
    out_specs=pl.BlockSpec((1000, _D), lambda i: (i, 0)),
    out_shape=jax.ShapeDtypeStruct((_N, _D), jnp.float32),
)


@jax.jit
def kernel(features, edge_index, W, b):
    bsrc, bdst = _sc_route(edge_index[0], edge_index[1])
    bsrc = bsrc.reshape(_NC, _NW, _CPP, _CH)
    bdst = bdst.reshape(_NC, _NW, _CPP, _CH)
    zeros = jnp.zeros((_NP, _D), jnp.float32)
    hpart = _sc_gather_scatter(features, bsrc, bdst, zeros)
    return _linear(hpart, W, b.reshape(1, _D))

# --- scband reference (transcript-rebuilt; emitter-appended) ---
"""Pipeline reference for scband-graph-conv-14035953123516 (READ-ONLY COPY).

The authoritative reference and input builder live on the scoring server;
editing this copy changes nothing except your own understanding.
"""

import jax, jax.numpy as jnp
import numpy as np

N_NODES = 10000
N_EDGES = 320000
D_IN = 128
D_OUT = 128


def setup_inputs(seed: int = 0) -> dict:
    key = jax.random.key(seed)
    k1, k2, k3, k4 = jax.random.split(key, 4)
    features = jax.random.normal(k1, (N_NODES, D_IN), dtype=jnp.float32)
    edge_index = jax.random.randint(k2, (2, N_EDGES), 0, N_NODES, dtype=jnp.int32)
    # nn.Linear(input_dim, output_dim) parameters: W has shape (out, in), b has shape (out,)
    bound = 1.0 / np.sqrt(D_IN)
    W = jax.random.uniform(k3, (D_OUT, D_IN), dtype=jnp.float32, minval=-bound, maxval=bound)
    b = jax.random.uniform(k4, (D_OUT,), dtype=jnp.float32, minval=-bound, maxval=bound)
    return {"features": features, "edge_index": edge_index, "W": W, "b": b}


def reference(features, edge_index, W, b):
    # DGL update_all(copy_src('h','m'), sum('m','h')):
    # each edge copies the source node's feature; destination sums incoming messages.
    src = edge_index[0]
    dst = edge_index[1]
    msgs = jnp.take(features, src, axis=0)  # gather: [E, D_IN]
    h = jnp.zeros((features.shape[0], features.shape[1]), dtype=features.dtype).at[dst].add(msgs)  # scatter-add
    # nn.Linear: h @ W.T + b
    return h @ W.T + b

if __name__ == "__main__":
    import jax
    _d = setup_inputs()
    print(jax.jit(kernel)(*tuple(_d.values())))

</pallas_src>

<mosaic_0001>
#map = affine_map<(d0, d1) -> (0)>
#map1 = affine_map<(d0, d1) -> (0, 0, 0)>
module attributes {stable_mosaic.version = 14 : i64} {
  func.func @_sc_route(%arg0: i32, %arg1: i32, %arg2: memref<320000xi32, #tpu.memory_space<hbm>>, %arg3: memref<320000xi32, #tpu.memory_space<hbm>>, %arg4: memref<2x32x5376xi32, #tpu.memory_space<hbm>>, %arg5: memref<2x32x5376xi32, #tpu.memory_space<hbm>>, %arg6: memref<10000xi32, #tpu.memory_space<vmem>>, %arg7: memref<10000xi32, #tpu.memory_space<vmem>>, %arg8: memref<5392xi32, #tpu.memory_space<vmem>>, %arg9: memref<5392xi32, #tpu.memory_space<vmem>>, %arg10: memref<5392xi32, #tpu.memory_space<vmem>>, %arg11: memref<5392xi32, #tpu.memory_space<vmem>>, %arg12: memref<!tpu.dma_semaphore, #tpu.memory_space<semaphore_mem>>, %arg13: memref<!tpu.dma_semaphore, #tpu.memory_space<semaphore_mem>>) attributes {dimension_semantics = [#tpu.dimension_semantics<core_parallel>, #tpu.dimension_semantics<subcore_parallel>], iteration_bounds = array<i64: 2, 16>, scalar_prefetch = 0 : i64, scratch_operands = 8 : i64, tpu.core_type = #tpu.core_type<sc_vector_subcore>, window_params = [{transform_indices = #map}, {transform_indices = #map}, {transform_indices = #map1}, {transform_indices = #map1}]} {
    %mul3A = arith.constant 16 : i32
    %mul3A_0 = arith.muli %arg0, %mul3A : i32
    %add3A = arith.addi %mul3A_0, %arg1 : i32
    %mul3A_1 = arith.constant 10000 : i32
    %mul3A_2 = arith.muli %add3A, %mul3A_1 : i32
    %dma_start3A = tpu.memref_slice %arg2[%mul3A_2] : memref<320000xi32, #tpu.memory_space<hbm>> -> memref<10000xi32, #tpu.memory_space<hbm>>
    %dma_start3A_3 = tpu.memref_slice %arg2[%mul3A_2] : memref<320000xi32, #tpu.memory_space<hbm>> -> memref<10000xi32, #tpu.memory_space<hbm>>
    tpu.enqueue_dma source(%dma_start3A_3 : memref<10000xi32, #tpu.memory_space<hbm>>) target(%arg6 : memref<10000xi32, #tpu.memory_space<vmem>>) target_semaphore(%arg12 : memref<!tpu.dma_semaphore, #tpu.memory_space<semaphore_mem>>)
    %mul3A_4 = arith.constant 10000 : i32
    %mul3A_5 = arith.muli %add3A, %mul3A_4 : i32
    %dma_start3A_6 = tpu.memref_slice %arg3[%mul3A_5] : memref<320000xi32, #tpu.memory_space<hbm>> -> memref<10000xi32, #tpu.memory_space<hbm>>
    %dma_start3A_7 = tpu.memref_slice %arg3[%mul3A_5] : memref<320000xi32, #tpu.memory_space<hbm>> -> memref<10000xi32, #tpu.memory_space<hbm>>
    tpu.enqueue_dma source(%dma_start3A_7 : memref<10000xi32, #tpu.memory_space<hbm>>) target(%arg7 : memref<10000xi32, #tpu.memory_space<vmem>>) target_semaphore(%arg12 : memref<!tpu.dma_semaphore, #tpu.memory_space<semaphore_mem>>)
    %iota3A = tpu.iota {dimensions = array<i32: 0>} : vector<16xi32>
    %broadcast_in_dim3A = arith.constant 5000 : i32
    %broadcast_in_dim3A_8 = vector.broadcast %broadcast_in_dim3A : i32 to vector<16xi32>
    %scan3A = arith.constant 0 : i32
    %scan3A_9 = arith.constant 0 : i32
    %scan3A_10 = arith.constant 337 : i32
    %scan3A_11 = arith.addi %scan3A_9, %scan3A_10 : i32
    %scan3A_12 = arith.constant 1 : i32
    %scan3A_13 = scf.for %scan3A_121 = %scan3A_9 to %scan3A_11 step %scan3A_12 iter_args(%scan3A_122 = %scan3A) -> (i32)  : i32 {
      %mul3A_123 = arith.constant 16 : i32
      %mul3A_124 = arith.muli %mul3A_123, %scan3A_121 : i32
      %add3A_125 = vector.broadcast %mul3A_124 : i32 to vector<16xi32>
      %add3A_126 = arith.addi %add3A_125, %iota3A : vector<16xi32>
      %jit3A = arith.constant 10000 : i32
      %eq3A = arith.constant 0 : i32
      %eq3A_127 = arith.cmpi eq, %jit3A, %eq3A : i32
      %jit3A_128 = arith.constant 1 : i32
      %select_n3A = arith.select %eq3A_127, %jit3A_128, %jit3A : i32
      %rem3A = vector.broadcast %select_n3A : i32 to vector<16xi32>
      %rem3A_129 = arith.remsi %add3A_126, %rem3A : vector<16xi32>
      %ne3A = arith.constant 0 : i32
      %ne3A_130 = vector.broadcast %ne3A : i32 to vector<16xi32>
      %ne3A_131 = arith.cmpi ne, %rem3A_129, %ne3A_130 : vector<16xi32>
      %lt3A = arith.constant 0 : i32
      %lt3A_132 = vector.broadcast %lt3A : i32 to vector<16xi32>
      %lt3A_133 = arith.cmpi slt, %rem3A_129, %lt3A_132 : vector<16xi32>
      %lt3A_134 = arith.constant 0 : i32
      %lt3A_135 = arith.cmpi slt, %select_n3A, %lt3A_134 : i32
      %ne3A_136 = vector.broadcast %lt3A_135 : i1 to vector<16xi1>
      %ne3A_137 = vector.broadcast %ne3A_136 : vector<16xi1> to vector<16xi1>
      %ne3A_138 = arith.xori %lt3A_133, %ne3A_137 : vector<16xi1>
      %and3A = arith.andi %ne3A_138, %ne3A_131 : vector<16xi1>
      %add3A_139 = vector.broadcast %select_n3A : i32 to vector<16xi32>
      %add3A_140 = arith.addi %rem3A_129, %add3A_139 : vector<16xi32>
      %select_n3A_141 = arith.select %and3A, %add3A_140, %rem3A_129 : vector<16xi1>, vector<16xi32>
      %mul3A_142 = arith.constant 16 : i32
      %mul3A_143 = arith.muli %mul3A_142, %scan3A_121 : i32
      %swap3A_144 = arith.index_cast %mul3A_143 : i32 to index
      %swap3A_145 = tpu.vector_load %arg8[%swap3A_144] {strides = array<i32>} : memref<5392xi32, #tpu.memory_space<vmem>>, vector<16xi32>,
      tpu.vector_store %arg8[%swap3A_144], %select_n3A_141 {strides = array<i32>} : memref<5392xi32, #tpu.memory_space<vmem>>, vector<16xi32>,
      %mul3A_146 = arith.constant 16 : i32
      %mul3A_147 = arith.muli %mul3A_146, %scan3A_121 : i32
      %swap3A_148 = arith.index_cast %mul3A_147 : i32 to index
      %swap3A_149 = tpu.vector_load %arg9[%swap3A_148] {strides = array<i32>} : memref<5392xi32, #tpu.memory_space<vmem>>, vector<16xi32>,
      tpu.vector_store %arg9[%swap3A_148], %broadcast_in_dim3A_8 {strides = array<i32>} : memref<5392xi32, #tpu.memory_space<vmem>>, vector<16xi32>,
      %mul3A_150 = arith.constant 16 : i32
      %mul3A_151 = arith.muli %mul3A_150, %scan3A_121 : i32
      %swap3A_152 = arith.index_cast %mul3A_151 : i32 to index
      %swap3A_153 = tpu.vector_load %arg10[%swap3A_152] {strides = array<i32>} : memref<5392xi32, #tpu.memory_space<vmem>>, vector<16xi32>,
      tpu.vector_store %arg10[%swap3A_152], %select_n3A_141 {strides = array<i32>} : memref<5392xi32, #tpu.memory_space<vmem>>, vector<16xi32>,
      %mul3A_154 = arith.constant 16 : i32
      %mul3A_155 = arith.muli %mul3A_154, %scan3A_121 : i32
      %swap3A_156 = arith.index_cast %mul3A_155 : i32 to index
      %swap3A_157 = tpu.vector_load %arg11[%swap3A_156] {strides = array<i32>} : memref<5392xi32, #tpu.memory_space<vmem>>, vector<16xi32>,
      tpu.vector_store %arg11[%swap3A_156], %broadcast_in_dim3A_8 {strides = array<i32>} : memref<5392xi32, #tpu.memory_space<vmem>>, vector<16xi32>,
      %scan3A_158 = arith.constant 0 : i32
      scf.yield %scan3A_158 : i32
    }
    %scan3A_14 = arith.constant 337 : i32
    %dma_wait3A = tpu.memref_slice %arg2[%mul3A_2] : memref<320000xi32, #tpu.memory_space<hbm>> -> memref<10000xi32, #tpu.memory_space<hbm>>
    %dma_wait3A_15 = tpu.memref_slice %arg2[%mul3A_2] : memref<320000xi32, #tpu.memory_space<hbm>> -> memref<10000xi32, #tpu.memory_space<hbm>>
    tpu.wait_dma2 semaphore(%arg12 : memref<!tpu.dma_semaphore, #tpu.memory_space<semaphore_mem>>) src(%dma_wait3A_15 : memref<10000xi32, #tpu.memory_space<hbm>>) dst(%arg6 : memref<10000xi32, #tpu.memory_space<vmem>>)
    %dma_wait3A_16 = tpu.memref_slice %arg3[%mul3A_5] : memref<320000xi32, #tpu.memory_space<hbm>> -> memref<10000xi32, #tpu.memory_space<hbm>>
    %dma_wait3A_17 = tpu.memref_slice %arg3[%mul3A_5] : memref<320000xi32, #tpu.memory_space<hbm>> -> memref<10000xi32, #tpu.memory_space<hbm>>
    tpu.wait_dma2 semaphore(%arg12 : memref<!tpu.dma_semaphore, #tpu.memory_space<semaphore_mem>>) src(%dma_wait3A_17 : memref<10000xi32, #tpu.memory_space<hbm>>) dst(%arg7 : memref<10000xi32, #tpu.memory_space<vmem>>)
    %scan3A_18 = arith.constant 0 : i32
    %scan3A_19 = arith.constant 0 : i32
    %scan3A_20 = arith.constant 0 : i32
    %scan3A_21 = arith.constant 625 : i32
    %scan3A_22 = arith.addi %scan3A_20, %scan3A_21 : i32
    %scan3A_23 = arith.constant 1 : i32
    %scan3A_24:2 = scf.for %scan3A_121 = %scan3A_20 to %scan3A_22 step %scan3A_23 iter_args(%scan3A_122 = %scan3A_18, %scan3A_123 = %scan3A_19) -> (i32, i32)  : i32 {
      %mul3A_124 = arith.constant 16 : i32
      %mul3A_125 = arith.muli %mul3A_124, %scan3A_121 : i32
      %get3A = arith.index_cast %mul3A_125 : i32 to index
      %get3A_126 = tpu.vector_load %arg6[%get3A] {strides = array<i32>} : memref<10000xi32, #tpu.memory_space<vmem>>, vector<16xi32>,
      %mul3A_127 = arith.constant 16 : i32
      %mul3A_128 = arith.muli %mul3A_127, %scan3A_121 : i32
      %get3A_129 = arith.index_cast %mul3A_128 : i32 to index
      %get3A_130 = tpu.vector_load %arg7[%get3A_129] {strides = array<i32>} : memref<10000xi32, #tpu.memory_space<vmem>>, vector<16xi32>,
      %masked_sort3A = arith.constant dense<true> : vector<16xi1>
      %masked_sort3A_131 = arith.constant -2147483648 : i32
      %masked_sort3A_132 = vector.broadcast %masked_sort3A_131 : i32 to vector<16xi32>
      %masked_sort3A_133 = arith.xori %get3A_130, %masked_sort3A_132 : vector<16xi32>
      %masked_sort3A_134, %masked_sort3A_135, %masked_sort3A_136 = tpu.sort %masked_sort3A_133, %get3A_126 masked %masked_sort3A : (vector<16xi32>, vector<16xi32>, vector<16xi1>) -> (vector<16xi1>, vector<16xi32>, vector<16xi32>)
      %masked_sort3A_137 = arith.xori %masked_sort3A_135, %masked_sort3A_132 : vector<16xi32>
      %lt3A = arith.constant 5000 : i32
      %lt3A_138 = vector.broadcast %lt3A : i32 to vector<16xi32>
      %lt3A_139 = arith.cmpi slt, %masked_sort3A_137, %lt3A_138 : vector<16xi32>
      %all_reduce_population_count3A = tpu.all_reduce %lt3A_139 {dim = 0 : i64, kind = #tpu.reduction_kind<sum>} : vector<16xi1> -> vector<16xi32>
      %slice3A = vector.extract_strided_slice %all_reduce_population_count3A {offsets = [0], sizes = [1], strides = [1]} : vector<16xi32> to vector<1xi32>
      %squeeze3A = vector.extract %slice3A[0] : i32 from vector<1xi32>
      %swap3A_140 = arith.index_cast %scan3A_122 : i32 to index
      %swap3A_141 = tpu.vector_load %arg8[%swap3A_140] {strides = array<i32>} : memref<5392xi32, #tpu.memory_space<vmem>>, vector<16xi32>,
      tpu.vector_store %arg8[%swap3A_140], %masked_sort3A_136 {strides = array<i32>} : memref<5392xi32, #tpu.memory_space<vmem>>, vector<16xi32>,
      %swap3A_142 = arith.index_cast %scan3A_122 : i32 to index
      %swap3A_143 = tpu.vector_load %arg9[%swap3A_142] {strides = array<i32>} : memref<5392xi32, #tpu.memory_space<vmem>>, vector<16xi32>,
      tpu.vector_store %arg9[%swap3A_142], %masked_sort3A_137 {strides = array<i32>} : memref<5392xi32, #tpu.memory_space<vmem>>, vector<16xi32>,
      %rev3A = arith.constant 15 : i32
      %rev3A_144 = vector.broadcast %rev3A : i32 to vector<16xi32>
      %rev3A_145 = tpu.iota {dimensions = array<i32: 0>} : vector<16xi32>
      %rev3A_146 = arith.subi %rev3A_144, %rev3A_145 : vector<16xi32>
      %rev3A_147 = tpu.dynamic_gather %masked_sort3A_136[%rev3A_146] in [0] : vector<16xi32>, vector<16xi32> -> vector<16xi32>
      %rev3A_148 = arith.constant 15 : i32
      %rev3A_149 = vector.broadcast %rev3A_148 : i32 to vector<16xi32>
      %rev3A_150 = tpu.iota {dimensions = array<i32: 0>} : vector<16xi32>
      %rev3A_151 = arith.subi %rev3A_149, %rev3A_150 : vector<16xi32>
      %rev3A_152 = tpu.dynamic_gather %masked_sort3A_137[%rev3A_151] in [0] : vector<16xi32>, vector<16xi32> -> vector<16xi32>
      %swap3A_153 = arith.index_cast %scan3A_123 : i32 to index
      %swap3A_154 = tpu.vector_load %arg10[%swap3A_153] {strides = array<i32>} : memref<5392xi32, #tpu.memory_space<vmem>>, vector<16xi32>,
      tpu.vector_store %arg10[%swap3A_153], %rev3A_147 {strides = array<i32>} : memref<5392xi32, #tpu.memory_space<vmem>>, vector<16xi32>,
      %sub3A = arith.constant 5000 : i32
      %sub3A_155 = vector.broadcast %sub3A : i32 to vector<16xi32>
      %sub3A_156 = arith.subi %rev3A_152, %sub3A_155 : vector<16xi32>
      %swap3A_157 = arith.index_cast %scan3A_123 : i32 to index
      %swap3A_158 = tpu.vector_load %arg11[%swap3A_157] {strides = array<i32>} : memref<5392xi32, #tpu.memory_space<vmem>>, vector<16xi32>,
      tpu.vector_store %arg11[%swap3A_157], %sub3A_156 {strides = array<i32>} : memref<5392xi32, #tpu.memory_space<vmem>>, vector<16xi32>,
      %add3A_159 = arith.addi %scan3A_122, %squeeze3A : i32
      %min3A = arith.constant 5376 : i32
      %min3A_160 = arith.minsi %add3A_159, %min3A : i32
      %sub3A_161 = arith.constant 16 : i32
      %sub3A_162 = arith.subi %sub3A_161, %squeeze3A : i32
      %add3A_163 = arith.addi %scan3A_123, %sub3A_162 : i32
      %min3A_164 = arith.constant 5376 : i32
      %min3A_165 = arith.minsi %add3A_163, %min3A_164 : i32
      scf.yield %min3A_160, %min3A_165 : i32, i32
    }
    %scan3A_25 = arith.constant 625 : i32
    %swap3A = arith.index_cast %scan3A_24#0 : i32 to index
    %swap3A_26 = tpu.vector_load %arg8[%swap3A] {strides = array<i32>} : memref<5392xi32, #tpu.memory_space<vmem>>, vector<16xi32>,
    tpu.vector_store %arg8[%swap3A], %iota3A {strides = array<i32>} : memref<5392xi32, #tpu.memory_space<vmem>>, vector<16xi32>,
    %swap3A_27 = arith.index_cast %scan3A_24#0 : i32 to index
    %swap3A_28 = tpu.vector_load %arg9[%swap3A_27] {strides = array<i32>} : memref<5392xi32, #tpu.memory_space<vmem>>, vector<16xi32>,
    tpu.vector_store %arg9[%swap3A_27], %broadcast_in_dim3A_8 {strides = array<i32>} : memref<5392xi32, #tpu.memory_space<vmem>>, vector<16xi32>,
    %swap3A_29 = arith.index_cast %scan3A_24#1 : i32 to index
    %swap3A_30 = tpu.vector_load %arg10[%swap3A_29] {strides = array<i32>} : memref<5392xi32, #tpu.memory_space<vmem>>, vector<16xi32>,
    tpu.vector_store %arg10[%swap3A_29], %iota3A {strides = array<i32>} : memref<5392xi32, #tpu.memory_space<vmem>>, vector<16xi32>,
    %swap3A_31 = arith.index_cast %scan3A_24#1 : i32 to index
    %swap3A_32 = tpu.vector_load %arg11[%swap3A_31] {strides = array<i32>} : memref<5392xi32, #tpu.memory_space<vmem>>, vector<16xi32>,
    tpu.vector_store %arg11[%swap3A_31], %broadcast_in_dim3A_8 {strides = array<i32>} : memref<5392xi32, #tpu.memory_space<vmem>>, vector<16xi32>,
    %dma_start3A_33 = arith.constant 0 : i32
    %dma_start3A_34 = arith.constant 0 : i32
    %dma_start3A_35 = tpu.memref_slice %arg8[%dma_start3A_34] : memref<5392xi32, #tpu.memory_space<vmem>> -> memref<5376xi32, #tpu.memory_space<vmem>>
    %dma_start3A_36 = arith.constant 0 : i32
    %dma_start3A_37 = tpu.memref_slice %arg4[%dma_start3A_33, %add3A, %dma_start3A_36] : memref<2x32x5376xi32, #tpu.memory_space<hbm>> -> memref<1x1x5376xi32, #tpu.memory_space<hbm>>
    %dma_start3A_38 = tpu.memref_squeeze %dma_start3A_37 : memref<1x1x5376xi32, #tpu.memory_space<hbm>> -> memref<5376xi32, #tpu.memory_space<hbm>>
    %dma_start3A_39 = arith.constant 0 : i32
    %dma_start3A_40 = tpu.memref_slice %arg4[%dma_start3A_33, %add3A, %dma_start3A_39] : memref<2x32x5376xi32, #tpu.memory_space<hbm>> -> memref<1x1x5376xi32, #tpu.memory_space<hbm>>
    %dma_start3A_41 = tpu.memref_squeeze %dma_start3A_40 : memref<1x1x5376xi32, #tpu.memory_space<hbm>> -> memref<5376xi32, #tpu.memory_space<hbm>>
    %dma_start3A_42 = arith.constant 0 : i32
    %dma_start3A_43 = tpu.memref_slice %arg8[%dma_start3A_42] : memref<5392xi32, #tpu.memory_space<vmem>> -> memref<5376xi32, #tpu.memory_space<vmem>>
    tpu.enqueue_dma source(%dma_start3A_43 : memref<5376xi32, #tpu.memory_space<vmem>>) target(%dma_start3A_41 : memref<5376xi32, #tpu.memory_space<hbm>>) target_semaphore(%arg13 : memref<!tpu.dma_semaphore, #tpu.memory_space<semaphore_mem>>)
    %dma_start3A_44 = arith.constant 0 : i32
    %dma_start3A_45 = arith.constant 0 : i32
    %dma_start3A_46 = tpu.memref_slice %arg9[%dma_start3A_45] : memref<5392xi32, #tpu.memory_space<vmem>> -> memref<5376xi32, #tpu.memory_space<vmem>>
    %dma_start3A_47 = arith.constant 0 : i32
    %dma_start3A_48 = tpu.memref_slice %arg5[%dma_start3A_44, %add3A, %dma_start3A_47] : memref<2x32x5376xi32, #tpu.memory_space<hbm>> -> memref<1x1x5376xi32, #tpu.memory_space<hbm>>
    %dma_start3A_49 = tpu.memref_squeeze %dma_start3A_48 : memref<1x1x5376xi32, #tpu.memory_space<hbm>> -> memref<5376xi32, #tpu.memory_space<hbm>>
    %dma_start3A_50 = arith.constant 0 : i32
    %dma_start3A_51 = tpu.memref_slice %arg5[%dma_start3A_44, %add3A, %dma_start3A_50] : memref<2x32x5376xi32, #tpu.memory_space<hbm>> -> memref<1x1x5376xi32, #tpu.memory_space<hbm>>
    %dma_start3A_52 = tpu.memref_squeeze %dma_start3A_51 : memref<1x1x5376xi32, #tpu.memory_space<hbm>> -> memref<5376xi32, #tpu.memory_space<hbm>>
    %dma_start3A_53 = arith.constant 0 : i32
    %dma_start3A_54 = tpu.memref_slice %arg9[%dma_start3A_53] : memref<5392xi32, #tpu.memory_space<vmem>> -> memref<5376xi32, #tpu.memory_space<vmem>>
    tpu.enqueue_dma source(%dma_start3A_54 : memref<5376xi32, #tpu.memory_space<vmem>>) target(%dma_start3A_52 : memref<5376xi32, #tpu.memory_space<hbm>>) target_semaphore(%arg13 : memref<!tpu.dma_semaphore, #tpu.memory_space<semaphore_mem>>)
    %dma_start3A_55 = arith.constant 1 : i32
    %dma_start3A_56 = arith.constant 0 : i32
    %dma_start3A_57 = tpu.memref_slice %arg10[%dma_start3A_56] : memref<5392xi32, #tpu.memory_space<vmem>> -> memref<5376xi32, #tpu.memory_space<vmem>>
    %dma_start3A_58 = arith.constant 0 : i32
    %dma_start3A_59 = tpu.memref_slice %arg4[%dma_start3A_55, %add3A, %dma_start3A_58] : memref<2x32x5376xi32, #tpu.memory_space<hbm>> -> memref<1x1x5376xi32, #tpu.memory_space<hbm>>
    %dma_start3A_60 = tpu.memref_squeeze %dma_start3A_59 : memref<1x1x5376xi32, #tpu.memory_space<hbm>> -> memref<5376xi32, #tpu.memory_space<hbm>>
    %dma_start3A_61 = arith.constant 0 : i32
    %dma_start3A_62 = tpu.memref_slice %arg4[%dma_start3A_55, %add3A, %dma_start3A_61] : memref<2x32x5376xi32, #tpu.memory_space<hbm>> -> memref<1x1x5376xi32, #tpu.memory_space<hbm>>
    %dma_start3A_63 = tpu.memref_squeeze %dma_start3A_62 : memref<1x1x5376xi32, #tpu.memory_space<hbm>> -> memref<5376xi32, #tpu.memory_space<hbm>>
    %dma_start3A_64 = arith.constant 0 : i32
    %dma_start3A_65 = tpu.memref_slice %arg10[%dma_start3A_64] : memref<5392xi32, #tpu.memory_space<vmem>> -> memref<5376xi32, #tpu.memory_space<vmem>>
    tpu.enqueue_dma source(%dma_start3A_65 : memref<5376xi32, #tpu.memory_space<vmem>>) target(%dma_start3A_63 : memref<5376xi32, #tpu.memory_space<hbm>>) target_semaphore(%arg13 : memref<!tpu.dma_semaphore, #tpu.memory_space<semaphore_mem>>)
    %dma_start3A_66 = arith.constant 1 : i32
    %dma_start3A_67 = arith.constant 0 : i32
    %dma_start3A_68 = tpu.memref_slice %arg11[%dma_start3A_67] : memref<5392xi32, #tpu.memory_space<vmem>> -> memref<5376xi32, #tpu.memory_space<vmem>>
    %dma_start3A_69 = arith.constant 0 : i32
    %dma_start3A_70 = tpu.memref_slice %arg5[%dma_start3A_66, %add3A, %dma_start3A_69] : memref<2x32x5376xi32, #tpu.memory_space<hbm>> -> memref<1x1x5376xi32, #tpu.memory_space<hbm>>
    %dma_start3A_71 = tpu.memref_squeeze %dma_start3A_70 : memref<1x1x5376xi32, #tpu.memory_space<hbm>> -> memref<5376xi32, #tpu.memory_space<hbm>>
    %dma_start3A_72 = arith.constant 0 : i32
    %dma_start3A_73 = tpu.memref_slice %arg5[%dma_start3A_66, %add3A, %dma_start3A_72] : memref<2x32x5376xi32, #tpu.memory_space<hbm>> -> memref<1x1x5376xi32, #tpu.memory_space<hbm>>
    %dma_start3A_74 = tpu.memref_squeeze %dma_start3A_73 : memref<1x1x5376xi32, #tpu.memory_space<hbm>> -> memref<5376xi32, #tpu.memory_space<hbm>>
    %dma_start3A_75 = arith.constant 0 : i32
    %dma_start3A_76 = tpu.memref_slice %arg11[%dma_start3A_75] : memref<5392xi32, #tpu.memory_space<vmem>> -> memref<5376xi32, #tpu.memory_space<vmem>>
    tpu.enqueue_dma source(%dma_start3A_76 : memref<5376xi32, #tpu.memory_space<vmem>>) target(%dma_start3A_74 : memref<5376xi32, #tpu.memory_space<hbm>>) target_semaphore(%arg13 : memref<!tpu.dma_semaphore, #tpu.memory_space<semaphore_mem>>)
    %dma_wait3A_77 = arith.constant 0 : i32
    %dma_wait3A_78 = arith.constant 0 : i32
    %dma_wait3A_79 = tpu.memref_slice %arg8[%dma_wait3A_78] : memref<5392xi32, #tpu.memory_space<vmem>> -> memref<5376xi32, #tpu.memory_space<vmem>>
    %dma_wait3A_80 = arith.constant 0 : i32
    %dma_wait3A_81 = tpu.memref_slice %arg4[%dma_wait3A_77, %add3A, %dma_wait3A_80] : memref<2x32x5376xi32, #tpu.memory_space<hbm>> -> memref<1x1x5376xi32, #tpu.memory_space<hbm>>
    %dma_wait3A_82 = tpu.memref_squeeze %dma_wait3A_81 : memref<1x1x5376xi32, #tpu.memory_space<hbm>> -> memref<5376xi32, #tpu.memory_space<hbm>>
    %dma_wait3A_83 = arith.constant 0 : i32
    %dma_wait3A_84 = tpu.memref_slice %arg4[%dma_wait3A_77, %add3A, %dma_wait3A_83] : memref<2x32x5376xi32, #tpu.memory_space<hbm>> -> memref<1x1x5376xi32, #tpu.memory_space<hbm>>
    %dma_wait3A_85 = tpu.memref_squeeze %dma_wait3A_84 : memref<1x1x5376xi32, #tpu.memory_space<hbm>> -> memref<5376xi32, #tpu.memory_space<hbm>>
    %dma_wait3A_86 = arith.constant 0 : i32
    %dma_wait3A_87 = tpu.memref_slice %arg8[%dma_wait3A_86] : memref<5392xi32, #tpu.memory_space<vmem>> -> memref<5376xi32, #tpu.memory_space<vmem>>
    tpu.wait_dma2 semaphore(%arg13 : memref<!tpu.dma_semaphore, #tpu.memory_space<semaphore_mem>>) src(%dma_wait3A_87 : memref<5376xi32, #tpu.memory_space<vmem>>) dst(%dma_wait3A_85 : memref<5376xi32, #tpu.memory_space<hbm>>)
    %dma_wait3A_88 = arith.constant 0 : i32
    %dma_wait3A_89 = arith.constant 0 : i32
    %dma_wait3A_90 = tpu.memref_slice %arg9[%dma_wait3A_89] : memref<5392xi32, #tpu.memory_space<vmem>> -> memref<5376xi32, #tpu.memory_space<vmem>>
    %dma_wait3A_91 = arith.constant 0 : i32
    %dma_wait3A_92 = tpu.memref_slice %arg5[%dma_wait3A_88, %add3A, %dma_wait3A_91] : memref<2x32x5376xi32, #tpu.memory_space<hbm>> -> memref<1x1x5376xi32, #tpu.memory_space<hbm>>
    %dma_wait3A_93 = tpu.memref_squeeze %dma_wait3A_92 : memref<1x1x5376xi32, #tpu.memory_space<hbm>> -> memref<5376xi32, #tpu.memory_space<hbm>>
    %dma_wait3A_94 = arith.constant 0 : i32
    %dma_wait3A_95 = tpu.memref_slice %arg5[%dma_wait3A_88, %add3A, %dma_wait3A_94] : memref<2x32x5376xi32, #tpu.memory_space<hbm>> -> memref<1x1x5376xi32, #tpu.memory_space<hbm>>
    %dma_wait3A_96 = tpu.memref_squeeze %dma_wait3A_95 : memref<1x1x5376xi32, #tpu.memory_space<hbm>> -> memref<5376xi32, #tpu.memory_space<hbm>>
    %dma_wait3A_97 = arith.constant 0 : i32
    %dma_wait3A_98 = tpu.memref_slice %arg9[%dma_wait3A_97] : memref<5392xi32, #tpu.memory_space<vmem>> -> memref<5376xi32, #tpu.memory_space<vmem>>
    tpu.wait_dma2 semaphore(%arg13 : memref<!tpu.dma_semaphore, #tpu.memory_space<semaphore_mem>>) src(%dma_wait3A_98 : memref<5376xi32, #tpu.memory_space<vmem>>) dst(%dma_wait3A_96 : memref<5376xi32, #tpu.memory_space<hbm>>)
    %dma_wait3A_99 = arith.constant 1 : i32
    %dma_wait3A_100 = arith.constant 0 : i32
    %dma_wait3A_101 = tpu.memref_slice %arg10[%dma_wait3A_100] : memref<5392xi32, #tpu.memory_space<vmem>> -> memref<5376xi32, #tpu.memory_space<vmem>>
    %dma_wait3A_102 = arith.constant 0 : i32
    %dma_wait3A_103 = tpu.memref_slice %arg4[%dma_wait3A_99, %add3A, %dma_wait3A_102] : memref<2x32x5376xi32, #tpu.memory_space<hbm>> -> memref<1x1x5376xi32, #tpu.memory_space<hbm>>
    %dma_wait3A_104 = tpu.memref_squeeze %dma_wait3A_103 : memref<1x1x5376xi32, #tpu.memory_space<hbm>> -> memref<5376xi32, #tpu.memory_space<hbm>>
    %dma_wait3A_105 = arith.constant 0 : i32
    %dma_wait3A_106 = tpu.memref_slice %arg4[%dma_wait3A_99, %add3A, %dma_wait3A_105] : memref<2x32x5376xi32, #tpu.memory_space<hbm>> -> memref<1x1x5376xi32, #tpu.memory_space<hbm>>
    %dma_wait3A_107 = tpu.memref_squeeze %dma_wait3A_106 : memref<1x1x5376xi32, #tpu.memory_space<hbm>> -> memref<5376xi32, #tpu.memory_space<hbm>>
    %dma_wait3A_108 = arith.constant 0 : i32
    %dma_wait3A_109 = tpu.memref_slice %arg10[%dma_wait3A_108] : memref<5392xi32, #tpu.memory_space<vmem>> -> memref<5376xi32, #tpu.memory_space<vmem>>
    tpu.wait_dma2 semaphore(%arg13 : memref<!tpu.dma_semaphore, #tpu.memory_space<semaphore_mem>>) src(%dma_wait3A_109 : memref<5376xi32, #tpu.memory_space<vmem>>) dst(%dma_wait3A_107 : memref<5376xi32, #tpu.memory_space<hbm>>)
    %dma_wait3A_110 = arith.constant 1 : i32
    %dma_wait3A_111 = arith.constant 0 : i32
    %dma_wait3A_112 = tpu.memref_slice %arg11[%dma_wait3A_111] : memref<5392xi32, #tpu.memory_space<vmem>> -> memref<5376xi32, #tpu.memory_space<vmem>>
    %dma_wait3A_113 = arith.constant 0 : i32
    %dma_wait3A_114 = tpu.memref_slice %arg5[%dma_wait3A_110, %add3A, %dma_wait3A_113] : memref<2x32x5376xi32, #tpu.memory_space<hbm>> -> memref<1x1x5376xi32, #tpu.memory_space<hbm>>
    %dma_wait3A_115 = tpu.memref_squeeze %dma_wait3A_114 : memref<1x1x5376xi32, #tpu.memory_space<hbm>> -> memref<5376xi32, #tpu.memory_space<hbm>>
    %dma_wait3A_116 = arith.constant 0 : i32
    %dma_wait3A_117 = tpu.memref_slice %arg5[%dma_wait3A_110, %add3A, %dma_wait3A_116] : memref<2x32x5376xi32, #tpu.memory_space<hbm>> -> memref<1x1x5376xi32, #tpu.memory_space<hbm>>
    %dma_wait3A_118 = tpu.memref_squeeze %dma_wait3A_117 : memref<1x1x5376xi32, #tpu.memory_space<hbm>> -> memref<5376xi32, #tpu.memory_space<hbm>>
    %dma_wait3A_119 = arith.constant 0 : i32
    %dma_wait3A_120 = tpu.memref_slice %arg11[%dma_wait3A_119] : memref<5392xi32, #tpu.memory_space<vmem>> -> memref<5376xi32, #tpu.memory_space<vmem>>
    tpu.wait_dma2 semaphore(%arg13 : memref<!tpu.dma_semaphore, #tpu.memory_space<semaphore_mem>>) src(%dma_wait3A_120 : memref<5376xi32, #tpu.memory_space<vmem>>) dst(%dma_wait3A_118 : memref<5376xi32, #tpu.memory_space<hbm>>)
    return
  }
}

#map = affine_map<(d0, d1) -> (0, 0)>
#map1 = affine_map<(d0, d1) -> (0, 0, 0, 0)>
#map2 = affine_map<(d0, d1) -> (0, 0, 0)>
module attributes {stable_mosaic.version = 14 : i64} {
  func.func @_sc_gather_scatter(%arg0: i32, %arg1: i32, %arg2: memref<10000x128xf32, #tpu.memory_space<hbm>>, %arg3: memref<2x32x42x128xi32, #tpu.memory_space<hbm>>, %arg4: memref<2x32x42x128xi32, #tpu.memory_space<hbm>>, %arg5: memref<5248x128xf32, #tpu.memory_space<hbm>>, %arg6: memref<2x5248x128xf32, #tpu.memory_space<hbm>>, %arg7: memref<84x128xi32, #tpu.memory_space<vmem>>, %arg8: memref<84x128xi32, #tpu.memory_space<vmem>>, %arg9: memref<128x128xf32, #tpu.memory_space<vmem>>, %arg10: memref<128x128xf32, #tpu.memory_space<vmem>>, %arg11: memref<128x128xf32, #tpu.memory_space<vmem>>, %arg12: memref<128x128xf32, #tpu.memory_space<vmem>>, %arg13: memref<5248x128xf32, #tpu.memory_space<vmem_shared>>, %arg14: memref<!tpu.dma_semaphore, #tpu.memory_space<semaphore_mem>>, %arg15: memref<!tpu.dma_semaphore, #tpu.memory_space<semaphore_mem>>, %arg16: memref<!tpu.dma_semaphore, #tpu.memory_space<semaphore_mem>>, %arg17: memref<!tpu.dma_semaphore, #tpu.memory_space<semaphore_mem>>) attributes {dimension_semantics = [#tpu.dimension_semantics<core_parallel>, #tpu.dimension_semantics<subcore_parallel>], iteration_bounds = array<i64: 2, 16>, scalar_prefetch = 0 : i64, scratch_operands = 11 : i64, tpu.core_type = #tpu.core_type<sc_vector_subcore>, window_params = [{transform_indices = #map}, {transform_indices = #map1}, {transform_indices = #map1}, {transform_indices = #map}, {transform_indices = #map2}]} {
    %mul3A = arith.constant 328 : i32
    %mul3A_0 = arith.muli %arg1, %mul3A : i32
    %dma_start3A = arith.constant 0 : i32
    %dma_start3A_1 = tpu.memref_slice %arg13[%mul3A_0, %dma_start3A] : memref<5248x128xf32, #tpu.memory_space<vmem_shared>> -> memref<328x128xf32, #tpu.memory_space<vmem_shared>>
    %dma_start3A_2 = arith.constant 0 : i32
    %dma_start3A_3 = tpu.memref_slice %arg5[%mul3A_0, %dma_start3A_2] : memref<5248x128xf32, #tpu.memory_space<hbm>> -> memref<328x128xf32, #tpu.memory_space<hbm>>
    tpu.enqueue_dma source(%dma_start3A_3 : memref<328x128xf32, #tpu.memory_space<hbm>>) target(%dma_start3A_1 : memref<328x128xf32, #tpu.memory_space<vmem_shared>>) target_semaphore(%arg14 : memref<!tpu.dma_semaphore, #tpu.memory_space<semaphore_mem>>)
    %mul3A_4 = arith.constant 2 : i32
    %mul3A_5 = arith.muli %mul3A_4, %arg1 : i32
    %dma_start3A_6 = arith.constant 0 : i32
    %dma_start3A_7 = arith.constant 0 : i32
    %dma_start3A_8 = tpu.memref_slice %arg7[%dma_start3A_6, %dma_start3A_7] : memref<84x128xi32, #tpu.memory_space<vmem>> -> memref<42x128xi32, #tpu.memory_space<vmem>>
    %dma_start3A_9 = arith.constant 0 : i32
    %dma_start3A_10 = arith.constant 0 : i32
    %dma_start3A_11 = tpu.memref_slice %arg3[%arg0, %mul3A_5, %dma_start3A_9, %dma_start3A_10] : memref<2x32x42x128xi32, #tpu.memory_space<hbm>> -> memref<1x1x42x128xi32, #tpu.memory_space<hbm>>
    %dma_start3A_12 = tpu.memref_squeeze %dma_start3A_11 : memref<1x1x42x128xi32, #tpu.memory_space<hbm>> -> memref<42x128xi32, #tpu.memory_space<hbm>>
    %dma_start3A_13 = arith.constant 0 : i32
    %dma_start3A_14 = arith.constant 0 : i32
    %dma_start3A_15 = tpu.memref_slice %arg7[%dma_start3A_13, %dma_start3A_14] : memref<84x128xi32, #tpu.memory_space<vmem>> -> memref<42x128xi32, #tpu.memory_space<vmem>>
    %dma_start3A_16 = arith.constant 0 : i32
    %dma_start3A_17 = arith.constant 0 : i32
    %dma_start3A_18 = tpu.memref_slice %arg3[%arg0, %mul3A_5, %dma_start3A_16, %dma_start3A_17] : memref<2x32x42x128xi32, #tpu.memory_space<hbm>> -> memref<1x1x42x128xi32, #tpu.memory_space<hbm>>
    %dma_start3A_19 = tpu.memref_squeeze %dma_start3A_18 : memref<1x1x42x128xi32, #tpu.memory_space<hbm>> -> memref<42x128xi32, #tpu.memory_space<hbm>>
    tpu.enqueue_dma source(%dma_start3A_19 : memref<42x128xi32, #tpu.memory_space<hbm>>) target(%dma_start3A_15 : memref<42x128xi32, #tpu.memory_space<vmem>>) target_semaphore(%arg15 : memref<!tpu.dma_semaphore, #tpu.memory_space<semaphore_mem>>)
    %mul3A_20 = arith.constant 2 : i32
    %mul3A_21 = arith.muli %mul3A_20, %arg1 : i32
    %add3A = arith.constant 1 : i32
    %add3A_22 = arith.addi %mul3A_21, %add3A : i32
    %dma_start3A_23 = arith.constant 42 : i32
    %dma_start3A_24 = arith.constant 0 : i32
    %dma_start3A_25 = tpu.memref_slice %arg7[%dma_start3A_23, %dma_start3A_24] : memref<84x128xi32, #tpu.memory_space<vmem>> -> memref<42x128xi32, #tpu.memory_space<vmem>>
    %dma_start3A_26 = arith.constant 0 : i32
    %dma_start3A_27 = arith.constant 0 : i32
    %dma_start3A_28 = tpu.memref_slice %arg3[%arg0, %add3A_22, %dma_start3A_26, %dma_start3A_27] : memref<2x32x42x128xi32, #tpu.memory_space<hbm>> -> memref<1x1x42x128xi32, #tpu.memory_space<hbm>>
    %dma_start3A_29 = tpu.memref_squeeze %dma_start3A_28 : memref<1x1x42x128xi32, #tpu.memory_space<hbm>> -> memref<42x128xi32, #tpu.memory_space<hbm>>
    %dma_start3A_30 = arith.constant 42 : i32
    %dma_start3A_31 = arith.constant 0 : i32
    %dma_start3A_32 = tpu.memref_slice %arg7[%dma_start3A_30, %dma_start3A_31] : memref<84x128xi32, #tpu.memory_space<vmem>> -> memref<42x128xi32, #tpu.memory_space<vmem>>
    %dma_start3A_33 = arith.constant 0 : i32
    %dma_start3A_34 = arith.constant 0 : i32
    %dma_start3A_35 = tpu.memref_slice %arg3[%arg0, %add3A_22, %dma_start3A_33, %dma_start3A_34] : memref<2x32x42x128xi32, #tpu.memory_space<hbm>> -> memref<1x1x42x128xi32, #tpu.memory_space<hbm>>
    %dma_start3A_36 = tpu.memref_squeeze %dma_start3A_35 : memref<1x1x42x128xi32, #tpu.memory_space<hbm>> -> memref<42x128xi32, #tpu.memory_space<hbm>>
    tpu.enqueue_dma source(%dma_start3A_36 : memref<42x128xi32, #tpu.memory_space<hbm>>) target(%dma_start3A_32 : memref<42x128xi32, #tpu.memory_space<vmem>>) target_semaphore(%arg16 : memref<!tpu.dma_semaphore, #tpu.memory_space<semaphore_mem>>)
    %mul3A_37 = arith.constant 2 : i32
    %mul3A_38 = arith.muli %mul3A_37, %arg1 : i32
    %dma_start3A_39 = arith.constant 0 : i32
    %dma_start3A_40 = arith.constant 0 : i32
    %dma_start3A_41 = tpu.memref_slice %arg8[%dma_start3A_39, %dma_start3A_40] : memref<84x128xi32, #tpu.memory_space<vmem>> -> memref<42x128xi32, #tpu.memory_space<vmem>>
    %dma_start3A_42 = arith.constant 0 : i32
    %dma_start3A_43 = arith.constant 0 : i32
    %dma_start3A_44 = tpu.memref_slice %arg4[%arg0, %mul3A_38, %dma_start3A_42, %dma_start3A_43] : memref<2x32x42x128xi32, #tpu.memory_space<hbm>> -> memref<1x1x42x128xi32, #tpu.memory_space<hbm>>
    %dma_start3A_45 = tpu.memref_squeeze %dma_start3A_44 : memref<1x1x42x128xi32, #tpu.memory_space<hbm>> -> memref<42x128xi32, #tpu.memory_space<hbm>>
    %dma_start3A_46 = arith.constant 0 : i32
    %dma_start3A_47 = arith.constant 0 : i32
    %dma_start3A_48 = tpu.memref_slice %arg8[%dma_start3A_46, %dma_start3A_47] : memref<84x128xi32, #tpu.memory_space<vmem>> -> memref<42x128xi32, #tpu.memory_space<vmem>>
    %dma_start3A_49 = arith.constant 0 : i32
    %dma_start3A_50 = arith.constant 0 : i32
    %dma_start3A_51 = tpu.memref_slice %arg4[%arg0, %mul3A_38, %dma_start3A_49, %dma_start3A_50] : memref<2x32x42x128xi32, #tpu.memory_space<hbm>> -> memref<1x1x42x128xi32, #tpu.memory_space<hbm>>
    %dma_start3A_52 = tpu.memref_squeeze %dma_start3A_51 : memref<1x1x42x128xi32, #tpu.memory_space<hbm>> -> memref<42x128xi32, #tpu.memory_space<hbm>>
    tpu.enqueue_dma source(%dma_start3A_52 : memref<42x128xi32, #tpu.memory_space<hbm>>) target(%dma_start3A_48 : memref<42x128xi32, #tpu.memory_space<vmem>>) target_semaphore(%arg17 : memref<!tpu.dma_semaphore, #tpu.memory_space<semaphore_mem>>)
    %mul3A_53 = arith.constant 2 : i32
    %mul3A_54 = arith.muli %mul3A_53, %arg1 : i32
    %add3A_55 = arith.constant 1 : i32
    %add3A_56 = arith.addi %mul3A_54, %add3A_55 : i32
    %dma_start3A_57 = arith.constant 42 : i32
    %dma_start3A_58 = arith.constant 0 : i32
    %dma_start3A_59 = tpu.memref_slice %arg8[%dma_start3A_57, %dma_start3A_58] : memref<84x128xi32, #tpu.memory_space<vmem>> -> memref<42x128xi32, #tpu.memory_space<vmem>>
    %dma_start3A_60 = arith.constant 0 : i32
    %dma_start3A_61 = arith.constant 0 : i32
    %dma_start3A_62 = tpu.memref_slice %arg4[%arg0, %add3A_56, %dma_start3A_60, %dma_start3A_61] : memref<2x32x42x128xi32, #tpu.memory_space<hbm>> -> memref<1x1x42x128xi32, #tpu.memory_space<hbm>>
    %dma_start3A_63 = tpu.memref_squeeze %dma_start3A_62 : memref<1x1x42x128xi32, #tpu.memory_space<hbm>> -> memref<42x128xi32, #tpu.memory_space<hbm>>
    %dma_start3A_64 = arith.constant 42 : i32
    %dma_start3A_65 = arith.constant 0 : i32
    %dma_start3A_66 = tpu.memref_slice %arg8[%dma_start3A_64, %dma_start3A_65] : memref<84x128xi32, #tpu.memory_space<vmem>> -> memref<42x128xi32, #tpu.memory_space<vmem>>
    %dma_start3A_67 = arith.constant 0 : i32
    %dma_start3A_68 = arith.constant 0 : i32
    %dma_start3A_69 = tpu.memref_slice %arg4[%arg0, %add3A_56, %dma_start3A_67, %dma_start3A_68] : memref<2x32x42x128xi32, #tpu.memory_space<hbm>> -> memref<1x1x42x128xi32, #tpu.memory_space<hbm>>
    %dma_start3A_70 = tpu.memref_squeeze %dma_start3A_69 : memref<1x1x42x128xi32, #tpu.memory_space<hbm>> -> memref<42x128xi32, #tpu.memory_space<hbm>>
    tpu.enqueue_dma source(%dma_start3A_70 : memref<42x128xi32, #tpu.memory_space<hbm>>) target(%dma_start3A_66 : memref<42x128xi32, #tpu.memory_space<vmem>>) target_semaphore(%arg14 : memref<!tpu.dma_semaphore, #tpu.memory_space<semaphore_mem>>)
    %dma_wait3A = arith.constant 0 : i32
    %dma_wait3A_71 = tpu.memref_slice %arg13[%mul3A_0, %dma_wait3A] : memref<5248x128xf32, #tpu.memory_space<vmem_shared>> -> memref<328x128xf32, #tpu.memory_space<vmem_shared>>
    %dma_wait3A_72 = arith.constant 0 : i32
    %dma_wait3A_73 = tpu.memref_slice %arg5[%mul3A_0, %dma_wait3A_72] : memref<5248x128xf32, #tpu.memory_space<hbm>> -> memref<328x128xf32, #tpu.memory_space<hbm>>
    tpu.wait_dma2 semaphore(%arg14 : memref<!tpu.dma_semaphore, #tpu.memory_space<semaphore_mem>>) src(%dma_wait3A_73 : memref<328x128xf32, #tpu.memory_space<hbm>>) dst(%dma_wait3A_71 : memref<328x128xf32, #tpu.memory_space<vmem_shared>>)
    %dma_wait3A_74 = arith.constant 0 : i32
    %dma_wait3A_75 = arith.constant 0 : i32
    %dma_wait3A_76 = tpu.memref_slice %arg7[%dma_wait3A_74, %dma_wait3A_75] : memref<84x128xi32, #tpu.memory_space<vmem>> -> memref<42x128xi32, #tpu.memory_space<vmem>>
    %dma_wait3A_77 = arith.constant 0 : i32
    %dma_wait3A_78 = arith.constant 0 : i32
    %dma_wait3A_79 = tpu.memref_slice %arg3[%arg0, %mul3A_5, %dma_wait3A_77, %dma_wait3A_78] : memref<2x32x42x128xi32, #tpu.memory_space<hbm>> -> memref<1x1x42x128xi32, #tpu.memory_space<hbm>>
    %dma_wait3A_80 = tpu.memref_squeeze %dma_wait3A_79 : memref<1x1x42x128xi32, #tpu.memory_space<hbm>> -> memref<42x128xi32, #tpu.memory_space<hbm>>
    %dma_wait3A_81 = arith.constant 0 : i32
    %dma_wait3A_82 = arith.constant 0 : i32
    %dma_wait3A_83 = tpu.memref_slice %arg7[%dma_wait3A_81, %dma_wait3A_82] : memref<84x128xi32, #tpu.memory_space<vmem>> -> memref<42x128xi32, #tpu.memory_space<vmem>>
    %dma_wait3A_84 = arith.constant 0 : i32
    %dma_wait3A_85 = arith.constant 0 : i32
    %dma_wait3A_86 = tpu.memref_slice %arg3[%arg0, %mul3A_5, %dma_wait3A_84, %dma_wait3A_85] : memref<2x32x42x128xi32, #tpu.memory_space<hbm>> -> memref<1x1x42x128xi32, #tpu.memory_space<hbm>>
    %dma_wait3A_87 = tpu.memref_squeeze %dma_wait3A_86 : memref<1x1x42x128xi32, #tpu.memory_space<hbm>> -> memref<42x128xi32, #tpu.memory_space<hbm>>
    tpu.wait_dma2 semaphore(%arg15 : memref<!tpu.dma_semaphore, #tpu.memory_space<semaphore_mem>>) src(%dma_wait3A_87 : memref<42x128xi32, #tpu.memory_space<hbm>>) dst(%dma_wait3A_83 : memref<42x128xi32, #tpu.memory_space<vmem>>)
    %dma_wait3A_88 = arith.constant 42 : i32
    %dma_wait3A_89 = arith.constant 0 : i32
    %dma_wait3A_90 = tpu.memref_slice %arg7[%dma_wait3A_88, %dma_wait3A_89] : memref<84x128xi32, #tpu.memory_space<vmem>> -> memref<42x128xi32, #tpu.memory_space<vmem>>
    %dma_wait3A_91 = arith.constant 0 : i32
    %dma_wait3A_92 = arith.constant 0 : i32
    %dma_wait3A_93 = tpu.memref_slice %arg3[%arg0, %add3A_22, %dma_wait3A_91, %dma_wait3A_92] : memref<2x32x42x128xi32, #tpu.memory_space<hbm>> -> memref<1x1x42x128xi32, #tpu.memory_space<hbm>>
    %dma_wait3A_94 = tpu.memref_squeeze %dma_wait3A_93 : memref<1x1x42x128xi32, #tpu.memory_space<hbm>> -> memref<42x128xi32, #tpu.memory_space<hbm>>
    %dma_wait3A_95 = arith.constant 42 : i32
    %dma_wait3A_96 = arith.constant 0 : i32
    %dma_wait3A_97 = tpu.memref_slice %arg7[%dma_wait3A_95, %dma_wait3A_96] : memref<84x128xi32, #tpu.memory_space<vmem>> -> memref<42x128xi32, #tpu.memory_space<vmem>>
    %dma_wait3A_98 = arith.constant 0 : i32
    %dma_wait3A_99 = arith.constant 0 : i32
    %dma_wait3A_100 = tpu.memref_slice %arg3[%arg0, %add3A_22, %dma_wait3A_98, %dma_wait3A_99] : memref<2x32x42x128xi32, #tpu.memory_space<hbm>> -> memref<1x1x42x128xi32, #tpu.memory_space<hbm>>
    %dma_wait3A_101 = tpu.memref_squeeze %dma_wait3A_100 : memref<1x1x42x128xi32, #tpu.memory_space<hbm>> -> memref<42x128xi32, #tpu.memory_space<hbm>>
    tpu.wait_dma2 semaphore(%arg16 : memref<!tpu.dma_semaphore, #tpu.memory_space<semaphore_mem>>) src(%dma_wait3A_101 : memref<42x128xi32, #tpu.memory_space<hbm>>) dst(%dma_wait3A_97 : memref<42x128xi32, #tpu.memory_space<vmem>>)
    %dma_wait3A_102 = arith.constant 0 : i32
    %dma_wait3A_103 = arith.constant 0 : i32
    %dma_wait3A_104 = tpu.memref_slice %arg8[%dma_wait3A_102, %dma_wait3A_103] : memref<84x128xi32, #tpu.memory_space<vmem>> -> memref<42x128xi32, #tpu.memory_space<vmem>>
    %dma_wait3A_105 = arith.constant 0 : i32
    %dma_wait3A_106 = arith.constant 0 : i32
    %dma_wait3A_107 = tpu.memref_slice %arg4[%arg0, %mul3A_38, %dma_wait3A_105, %dma_wait3A_106] : memref<2x32x42x128xi32, #tpu.memory_space<hbm>> -> memref<1x1x42x128xi32, #tpu.memory_space<hbm>>
    %dma_wait3A_108 = tpu.memref_squeeze %dma_wait3A_107 : memref<1x1x42x128xi32, #tpu.memory_space<hbm>> -> memref<42x128xi32, #tpu.memory_space<hbm>>
    %dma_wait3A_109 = arith.constant 0 : i32
    %dma_wait3A_110 = arith.constant 0 : i32
    %dma_wait3A_111 = tpu.memref_slice %arg8[%dma_wait3A_109, %dma_wait3A_110] : memref<84x128xi32, #tpu.memory_space<vmem>> -> memref<42x128xi32, #tpu.memory_space<vmem>>
    %dma_wait3A_112 = arith.constant 0 : i32
    %dma_wait3A_113 = arith.constant 0 : i32
    %dma_wait3A_114 = tpu.memref_slice %arg4[%arg0, %mul3A_38, %dma_wait3A_112, %dma_wait3A_113] : memref<2x32x42x128xi32, #tpu.memory_space<hbm>> -> memref<1x1x42x128xi32, #tpu.memory_space<hbm>>
    %dma_wait3A_115 = tpu.memref_squeeze %dma_wait3A_114 : memref<1x1x42x128xi32, #tpu.memory_space<hbm>> -> memref<42x128xi32, #tpu.memory_space<hbm>>
    tpu.wait_dma2 semaphore(%arg17 : memref<!tpu.dma_semaphore, #tpu.memory_space<semaphore_mem>>) src(%dma_wait3A_115 : memref<42x128xi32, #tpu.memory_space<hbm>>) dst(%dma_wait3A_111 : memref<42x128xi32, #tpu.memory_space<vmem>>)
    %dma_wait3A_116 = arith.constant 42 : i32
    %dma_wait3A_117 = arith.constant 0 : i32
    %dma_wait3A_118 = tpu.memref_slice %arg8[%dma_wait3A_116, %dma_wait3A_117] : memref<84x128xi32, #tpu.memory_space<vmem>> -> memref<42x128xi32, #tpu.memory_space<vmem>>
    %dma_wait3A_119 = arith.constant 0 : i32
    %dma_wait3A_120 = arith.constant 0 : i32
    %dma_wait3A_121 = tpu.memref_slice %arg4[%arg0, %add3A_56, %dma_wait3A_119, %dma_wait3A_120] : memref<2x32x42x128xi32, #tpu.memory_space<hbm>> -> memref<1x1x42x128xi32, #tpu.memory_space<hbm>>
    %dma_wait3A_122 = tpu.memref_squeeze %dma_wait3A_121 : memref<1x1x42x128xi32, #tpu.memory_space<hbm>> -> memref<42x128xi32, #tpu.memory_space<hbm>>
    %dma_wait3A_123 = arith.constant 42 : i32
    %dma_wait3A_124 = arith.constant 0 : i32
    %dma_wait3A_125 = tpu.memref_slice %arg8[%dma_wait3A_123, %dma_wait3A_124] : memref<84x128xi32, #tpu.memory_space<vmem>> -> memref<42x128xi32, #tpu.memory_space<vmem>>
    %dma_wait3A_126 = arith.constant 0 : i32
    %dma_wait3A_127 = arith.constant 0 : i32
    %dma_wait3A_128 = tpu.memref_slice %arg4[%arg0, %add3A_56, %dma_wait3A_126, %dma_wait3A_127] : memref<2x32x42x128xi32, #tpu.memory_space<hbm>> -> memref<1x1x42x128xi32, #tpu.memory_space<hbm>>
    %dma_wait3A_129 = tpu.memref_squeeze %dma_wait3A_128 : memref<1x1x42x128xi32, #tpu.memory_space<hbm>> -> memref<42x128xi32, #tpu.memory_space<hbm>>
    tpu.wait_dma2 semaphore(%arg14 : memref<!tpu.dma_semaphore, #tpu.memory_space<semaphore_mem>>) src(%dma_wait3A_129 : memref<42x128xi32, #tpu.memory_space<hbm>>) dst(%dma_wait3A_125 : memref<42x128xi32, #tpu.memory_space<vmem>>)
    %barrier3A = arith.constant 0 : index
    tpu.barrier barrier_id(%barrier3A)
    %dma_start3A_130 = arith.constant 0 : i32
    %dma_start3A_131 = arith.constant 0 : i32
    %dma_start3A_132 = tpu.memref_slice %arg7[%dma_start3A_130, %dma_start3A_131] : memref<84x128xi32, #tpu.memory_space<vmem>> -> memref<1x128xi32, #tpu.memory_space<vmem>>
    %dma_start3A_133 = tpu.memref_squeeze %dma_start3A_132 : memref<1x128xi32, #tpu.memory_space<vmem>> -> memref<128xi32, #tpu.memory_space<vmem>>
    %dma_start3A_134 = arith.constant 0 : i32
    %dma_start3A_135 = arith.constant 0 : i32
    %dma_start3A_136 = tpu.memref_slice %arg2[%dma_start3A_134, %dma_start3A_135] : memref<10000x128xf32, #tpu.memory_space<hbm>> -> memref<10000x128xf32, #tpu.memory_space<hbm>>
    tpu.enqueue_indirect_dma source(%dma_start3A_136 : memref<10000x128xf32, #tpu.memory_space<hbm>>) target(%arg9 : memref<128x128xf32, #tpu.memory_space<vmem>>) offsets(%dma_start3A_133 : memref<128xi32, #tpu.memory_space<vmem>>) semaphore(%arg14 : memref<!tpu.dma_semaphore, #tpu.memory_space<semaphore_mem>>)
    %dma_start3A_137 = arith.constant 1 : i32
    %dma_start3A_138 = arith.constant 0 : i32
    %dma_start3A_139 = tpu.memref_slice %arg7[%dma_start3A_137, %dma_start3A_138] : memref<84x128xi32, #tpu.memory_space<vmem>> -> memref<1x128xi32, #tpu.memory_space<vmem>>
    %dma_start3A_140 = tpu.memref_squeeze %dma_start3A_139 : memref<1x128xi32, #tpu.memory_space<vmem>> -> memref<128xi32, #tpu.memory_space<vmem>>
    %dma_start3A_141 = arith.constant 0 : i32
    %dma_start3A_142 = arith.constant 0 : i32
    %dma_start3A_143 = tpu.memref_slice %arg2[%dma_start3A_141, %dma_start3A_142] : memref<10000x128xf32, #tpu.memory_space<hbm>> -> memref<10000x128xf32, #tpu.memory_space<hbm>>
    tpu.enqueue_indirect_dma source(%dma_start3A_143 : memref<10000x128xf32, #tpu.memory_space<hbm>>) target(%arg10 : memref<128x128xf32, #tpu.memory_space<vmem>>) offsets(%dma_start3A_140 : memref<128xi32, #tpu.memory_space<vmem>>) semaphore(%arg15 : memref<!tpu.dma_semaphore, #tpu.memory_space<semaphore_mem>>)
    %dma_start3A_144 = arith.constant 2 : i32
    %dma_start3A_145 = arith.constant 0 : i32
    %dma_start3A_146 = tpu.memref_slice %arg7[%dma_start3A_144, %dma_start3A_145] : memref<84x128xi32, #tpu.memory_space<vmem>> -> memref<1x128xi32, #tpu.memory_space<vmem>>
    %dma_start3A_147 = tpu.memref_squeeze %dma_start3A_146 : memref<1x128xi32, #tpu.memory_space<vmem>> -> memref<128xi32, #tpu.memory_space<vmem>>
    %dma_start3A_148 = arith.constant 0 : i32
    %dma_start3A_149 = arith.constant 0 : i32
    %dma_start3A_150 = tpu.memref_slice %arg2[%dma_start3A_148, %dma_start3A_149] : memref<10000x128xf32, #tpu.memory_space<hbm>> -> memref<10000x128xf32, #tpu.memory_space<hbm>>
    tpu.enqueue_indirect_dma source(%dma_start3A_150 : memref<10000x128xf32, #tpu.memory_space<hbm>>) target(%arg11 : memref<128x128xf32, #tpu.memory_space<vmem>>) offsets(%dma_start3A_147 : memref<128xi32, #tpu.memory_space<vmem>>) semaphore(%arg16 : memref<!tpu.dma_semaphore, #tpu.memory_space<semaphore_mem>>)
    %dma_start3A_151 = arith.constant 3 : i32
    %dma_start3A_152 = arith.constant 0 : i32
    %dma_start3A_153 = tpu.memref_slice %arg7[%dma_start3A_151, %dma_start3A_152] : memref<84x128xi32, #tpu.memory_space<vmem>> -> memref<1x128xi32, #tpu.memory_space<vmem>>
    %dma_start3A_154 = tpu.memref_squeeze %dma_start3A_153 : memref<1x128xi32, #tpu.memory_space<vmem>> -> memref<128xi32, #tpu.memory_space<vmem>>
    %dma_start3A_155 = arith.constant 0 : i32
    %dma_start3A_156 = arith.constant 0 : i32
    %dma_start3A_157 = tpu.memref_slice %arg2[%dma_start3A_155, %dma_start3A_156] : memref<10000x128xf32, #tpu.memory_space<hbm>> -> memref<10000x128xf32, #tpu.memory_space<hbm>>
    tpu.enqueue_indirect_dma source(%dma_start3A_157 : memref<10000x128xf32, #tpu.memory_space<hbm>>) target(%arg12 : memref<128x128xf32, #tpu.memory_space<vmem>>) offsets(%dma_start3A_154 : memref<128xi32, #tpu.memory_space<vmem>>) semaphore(%arg17 : memref<!tpu.dma_semaphore, #tpu.memory_space<semaphore_mem>>)
    %scan3A = arith.constant 0 : i32
    %scan3A_158 = arith.constant 0 : i32
    %scan3A_159 = arith.constant 20 : i32
    %scan3A_160 = arith.addi %scan3A_158, %scan3A_159 : i32
    %scan3A_161 = arith.constant 1 : i32
    %scan3A_162 = scf.for %scan3A_192 = %scan3A_158 to %scan3A_160 step %scan3A_161 iter_args(%scan3A_193 = %scan3A) -> (i32)  : i32 {
      %mul3A_194 = arith.constant 4 : i32
      %mul3A_195 = arith.muli %mul3A_194, %scan3A_192 : i32
      %dma_wait3A_196 = arith.constant 0 : i32
      %dma_wait3A_197 = arith.constant 0 : i32
      %dma_wait3A_198 = tpu.memref_slice %arg2[%dma_wait3A_196, %dma_wait3A_197] : memref<10000x128xf32, #tpu.memory_space<hbm>> -> memref<128x128xf32, #tpu.memory_space<hbm>>
      %dma_wait3A_199 = arith.constant 0 : i32
      %dma_wait3A_200 = arith.constant 0 : i32
      %dma_wait3A_201 = tpu.memref_slice %arg2[%dma_wait3A_199, %dma_wait3A_200] : memref<10000x128xf32, #tpu.memory_space<hbm>> -> memref<128x128xf32, #tpu.memory_space<hbm>>
      tpu.wait_dma2 semaphore(%arg14 : memref<!tpu.dma_semaphore, #tpu.memory_space<semaphore_mem>>) src(%dma_wait3A_201 : memref<128x128xf32, #tpu.memory_space<hbm>>) dst(%arg9 : memref<128x128xf32, #tpu.memory_space<vmem>>)
      %add3A_202 = arith.constant 0 : i32
      %add3A_203 = arith.addi %mul3A_195, %add3A_202 : i32
      "tpu.region"() ({
        %run_scoped3A_269 = tpu.sem_alloc : memref<!tpu.dma_semaphore, #tpu.memory_space<semaphore_mem>>
        %dma_start3A_270 = arith.constant 0 : i32
        %dma_start3A_271 = tpu.memref_slice %arg8[%add3A_203, %dma_start3A_270] : memref<84x128xi32, #tpu.memory_space<vmem>> -> memref<1x128xi32, #tpu.memory_space<vmem>>
        %dma_start3A_272 = tpu.memref_squeeze %dma_start3A_271 : memref<1x128xi32, #tpu.memory_space<vmem>> -> memref<128xi32, #tpu.memory_space<vmem>>
        %dma_start3A_273 = arith.constant 0 : i32
        %dma_start3A_274 = arith.constant 0 : i32
        %dma_start3A_275 = tpu.memref_slice %arg13[%dma_start3A_273, %dma_start3A_274] : memref<5248x128xf32, #tpu.memory_space<vmem_shared>> -> memref<5248x128xf32, #tpu.memory_space<vmem_shared>>
        tpu.enqueue_indirect_dma source(%arg9 : memref<128x128xf32, #tpu.memory_space<vmem>>) target(%dma_start3A_275 : memref<5248x128xf32, #tpu.memory_space<vmem_shared>>) offsets(%dma_start3A_272 : memref<128xi32, #tpu.memory_space<vmem>>) semaphore(%run_scoped3A_269 : memref<!tpu.dma_semaphore, #tpu.memory_space<semaphore_mem>>) {add = true}
        %dma_wait3A_276 = arith.constant 0 : i32
        %dma_wait3A_277 = tpu.memref_slice %arg8[%add3A_203, %dma_wait3A_276] : memref<84x128xi32, #tpu.memory_space<vmem>> -> memref<1x128xi32, #tpu.memory_space<vmem>>
        %dma_wait3A_278 = tpu.memref_squeeze %dma_wait3A_277 : memref<1x128xi32, #tpu.memory_space<vmem>> -> memref<128xi32, #tpu.memory_space<vmem>>
        %dma_wait3A_279 = arith.constant 0 : i32
        %dma_wait3A_280 = arith.constant 0 : i32
        %dma_wait3A_281 = tpu.memref_slice %arg13[%dma_wait3A_279, %dma_wait3A_280] : memref<5248x128xf32, #tpu.memory_space<vmem_shared>> -> memref<5248x128xf32, #tpu.memory_space<vmem_shared>>
        tpu.wait_indirect_dma semaphore(%run_scoped3A_269 : memref<!tpu.dma_semaphore, #tpu.memory_space<semaphore_mem>>) src(%arg9 : memref<128x128xf32, #tpu.memory_space<vmem>>) dst(%dma_wait3A_281 : memref<5248x128xf32, #tpu.memory_space<vmem_shared>>)
        tpu.yield
      }) : () -> ()
      %add3A_204 = arith.constant 0 : i32
      %add3A_205 = arith.addi %mul3A_195, %add3A_204 : i32
      %add3A_206 = arith.constant 4 : i32
      %add3A_207 = arith.addi %add3A_205, %add3A_206 : i32
      %dma_start3A_208 = arith.constant 0 : i32
      %dma_start3A_209 = tpu.memref_slice %arg7[%add3A_207, %dma_start3A_208] : memref<84x128xi32, #tpu.memory_space<vmem>> -> memref<1x128xi32, #tpu.memory_space<vmem>>
      %dma_start3A_210 = tpu.memref_squeeze %dma_start3A_209 : memref<1x128xi32, #tpu.memory_space<vmem>> -> memref<128xi32, #tpu.memory_space<vmem>>
      %dma_start3A_211 = arith.constant 0 : i32
      %dma_start3A_212 = arith.constant 0 : i32
      %dma_start3A_213 = tpu.memref_slice %arg2[%dma_start3A_211, %dma_start3A_212] : memref<10000x128xf32, #tpu.memory_space<hbm>> -> memref<10000x128xf32, #tpu.memory_space<hbm>>
      tpu.enqueue_indirect_dma source(%dma_start3A_213 : memref<10000x128xf32, #tpu.memory_space<hbm>>) target(%arg9 : memref<128x128xf32, #tpu.memory_space<vmem>>) offsets(%dma_start3A_210 : memref<128xi32, #tpu.memory_space<vmem>>) semaphore(%arg14 : memref<!tpu.dma_semaphore, #tpu.memory_space<semaphore_mem>>)
      %dma_wait3A_214 = arith.constant 0 : i32
      %dma_wait3A_215 = arith.constant 0 : i32
      %dma_wait3A_216 = tpu.memref_slice %arg2[%dma_wait3A_214, %dma_wait3A_215] : memref<10000x128xf32, #tpu.memory_space<hbm>> -> memref<128x128xf32, #tpu.memory_space<hbm>>
      %dma_wait3A_217 = arith.constant 0 : i32
      %dma_wait3A_218 = arith.constant 0 : i32
      %dma_wait3A_219 = tpu.memref_slice %arg2[%dma_wait3A_217, %dma_wait3A_218] : memref<10000x128xf32, #tpu.memory_space<hbm>> -> memref<128x128xf32, #tpu.memory_space<hbm>>
      tpu.wait_dma2 semaphore(%arg15 : memref<!tpu.dma_semaphore, #tpu.memory_space<semaphore_mem>>) src(%dma_wait3A_219 : memref<128x128xf32, #tpu.memory_space<hbm>>) dst(%arg10 : memref<128x128xf32, #tpu.memory_space<vmem>>)
      %add3A_220 = arith.constant 1 : i32
      %add3A_221 = arith.addi %mul3A_195, %add3A_220 : i32
      "tpu.region"() ({
        %run_scoped3A_269 = tpu.sem_alloc : memref<!tpu.dma_semaphore, #tpu.memory_space<semaphore_mem>>
        %dma_start3A_270 = arith.constant 0 : i32
        %dma_start3A_271 = tpu.memref_slice %arg8[%add3A_221, %dma_start3A_270] : memref<84x128xi32, #tpu.memory_space<vmem>> -> memref<1x128xi32, #tpu.memory_space<vmem>>
        %dma_start3A_272 = tpu.memref_squeeze %dma_start3A_271 : memref<1x128xi32, #tpu.memory_space<vmem>> -> memref<128xi32, #tpu.memory_space<vmem>>
        %dma_start3A_273 = arith.constant 0 : i32
        %dma_start3A_274 = arith.constant 0 : i32
        %dma_start3A_275 = tpu.memref_slice %arg13[%dma_start3A_273, %dma_start3A_274] : memref<5248x128xf32, #tpu.memory_space<vmem_shared>> -> memref<5248x128xf32, #tpu.memory_space<vmem_shared>>
        tpu.enqueue_indirect_dma source(%arg10 : memref<128x128xf32, #tpu.memory_space<vmem>>) target(%dma_start3A_275 : memref<5248x128xf32, #tpu.memory_space<vmem_shared>>) offsets(%dma_start3A_272 : memref<128xi32, #tpu.memory_space<vmem>>) semaphore(%run_scoped3A_269 : memref<!tpu.dma_semaphore, #tpu.memory_space<semaphore_mem>>) {add = true}
        %dma_wait3A_276 = arith.constant 0 : i32
        %dma_wait3A_277 = tpu.memref_slice %arg8[%add3A_221, %dma_wait3A_276] : memref<84x128xi32, #tpu.memory_space<vmem>> -> memref<1x128xi32, #tpu.memory_space<vmem>>
        %dma_wait3A_278 = tpu.memref_squeeze %dma_wait3A_277 : memref<1x128xi32, #tpu.memory_space<vmem>> -> memref<128xi32, #tpu.memory_space<vmem>>
        %dma_wait3A_279 = arith.constant 0 : i32
        %dma_wait3A_280 = arith.constant 0 : i32
        %dma_wait3A_281 = tpu.memref_slice %arg13[%dma_wait3A_279, %dma_wait3A_280] : memref<5248x128xf32, #tpu.memory_space<vmem_shared>> -> memref<5248x128xf32, #tpu.memory_space<vmem_shared>>
        tpu.wait_indirect_dma semaphore(%run_scoped3A_269 : memref<!tpu.dma_semaphore, #tpu.memory_space<semaphore_mem>>) src(%arg10 : memref<128x128xf32, #tpu.memory_space<vmem>>) dst(%dma_wait3A_281 : memref<5248x128xf32, #tpu.memory_space<vmem_shared>>)
        tpu.yield
      }) : () -> ()
      %add3A_222 = arith.constant 1 : i32
      %add3A_223 = arith.addi %mul3A_195, %add3A_222 : i32
      %add3A_224 = arith.constant 4 : i32
      %add3A_225 = arith.addi %add3A_223, %add3A_224 : i32
      %dma_start3A_226 = arith.constant 0 : i32
      %dma_start3A_227 = tpu.memref_slice %arg7[%add3A_225, %dma_start3A_226] : memref<84x128xi32, #tpu.memory_space<vmem>> -> memref<1x128xi32, #tpu.memory_space<vmem>>
      %dma_start3A_228 = tpu.memref_squeeze %dma_start3A_227 : memref<1x128xi32, #tpu.memory_space<vmem>> -> memref<128xi32, #tpu.memory_space<vmem>>
      %dma_start3A_229 = arith.constant 0 : i32
      %dma_start3A_230 = arith.constant 0 : i32
      %dma_start3A_231 = tpu.memref_slice %arg2[%dma_start3A_229, %dma_start3A_230] : memref<10000x128xf32, #tpu.memory_space<hbm>> -> memref<10000x128xf32, #tpu.memory_space<hbm>>
      tpu.enqueue_indirect_dma source(%dma_start3A_231 : memref<10000x128xf32, #tpu.memory_space<hbm>>) target(%arg10 : memref<128x128xf32, #tpu.memory_space<vmem>>) offsets(%dma_start3A_228 : memref<128xi32, #tpu.memory_space<vmem>>) semaphore(%arg15 : memref<!tpu.dma_semaphore, #tpu.memory_space<semaphore_mem>>)
      %dma_wait3A_232 = arith.constant 0 : i32
      %dma_wait3A_233 = arith.constant 0 : i32
      %dma_wait3A_234 = tpu.memref_slice %arg2[%dma_wait3A_232, %dma_wait3A_233] : memref<10000x128xf32, #tpu.memory_space<hbm>> -> memref<128x128xf32, #tpu.memory_space<hbm>>
      %dma_wait3A_235 = arith.constant 0 : i32
      %dma_wait3A_236 = arith.constant 0 : i32
      %dma_wait3A_237 = tpu.memref_slice %arg2[%dma_wait3A_235, %dma_wait3A_236] : memref<10000x128xf32, #tpu.memory_space<hbm>> -> memref<128x128xf32, #tpu.memory_space<hbm>>
      tpu.wait_dma2 semaphore(%arg16 : memref<!tpu.dma_semaphore, #tpu.memory_space<semaphore_mem>>) src(%dma_wait3A_237 : memref<128x128xf32, #tpu.memory_space<hbm>>) dst(%arg11 : memref<128x128xf32, #tpu.memory_space<vmem>>)
      %add3A_238 = arith.constant 2 : i32
      %add3A_239 = arith.addi %mul3A_195, %add3A_238 : i32
      "tpu.region"() ({
        %run_scoped3A_269 = tpu.sem_alloc : memref<!tpu.dma_semaphore, #tpu.memory_space<semaphore_mem>>
        %dma_start3A_270 = arith.constant 0 : i32
        %dma_start3A_271 = tpu.memref_slice %arg8[%add3A_239, %dma_start3A_270] : memref<84x128xi32, #tpu.memory_space<vmem>> -> memref<1x128xi32, #tpu.memory_space<vmem>>
        %dma_start3A_272 = tpu.memref_squeeze %dma_start3A_271 : memref<1x128xi32, #tpu.memory_space<vmem>> -> memref<128xi32, #tpu.memory_space<vmem>>
        %dma_start3A_273 = arith.constant 0 : i32
        %dma_start3A_274 = arith.constant 0 : i32
        %dma_start3A_275 = tpu.memref_slice %arg13[%dma_start3A_273, %dma_start3A_274] : memref<5248x128xf32, #tpu.memory_space<vmem_shared>> -> memref<5248x128xf32, #tpu.memory_space<vmem_shared>>
        tpu.enqueue_indirect_dma source(%arg11 : memref<128x128xf32, #tpu.memory_space<vmem>>) target(%dma_start3A_275 : memref<5248x128xf32, #tpu.memory_space<vmem_shared>>) offsets(%dma_start3A_272 : memref<128xi32, #tpu.memory_space<vmem>>) semaphore(%run_scoped3A_269 : memref<!tpu.dma_semaphore, #tpu.memory_space<semaphore_mem>>) {add = true}
        %dma_wait3A_276 = arith.constant 0 : i32
        %dma_wait3A_277 = tpu.memref_slice %arg8[%add3A_239, %dma_wait3A_276] : memref<84x128xi32, #tpu.memory_space<vmem>> -> memref<1x128xi32, #tpu.memory_space<vmem>>
        %dma_wait3A_278 = tpu.memref_squeeze %dma_wait3A_277 : memref<1x128xi32, #tpu.memory_space<vmem>> -> memref<128xi32, #tpu.memory_space<vmem>>
        %dma_wait3A_279 = arith.constant 0 : i32
        %dma_wait3A_280 = arith.constant 0 : i32
        %dma_wait3A_281 = tpu.memref_slice %arg13[%dma_wait3A_279, %dma_wait3A_280] : memref<5248x128xf32, #tpu.memory_space<vmem_shared>> -> memref<5248x128xf32, #tpu.memory_space<vmem_shared>>
        tpu.wait_indirect_dma semaphore(%run_scoped3A_269 : memref<!tpu.dma_semaphore, #tpu.memory_space<semaphore_mem>>) src(%arg11 : memref<128x128xf32, #tpu.memory_space<vmem>>) dst(%dma_wait3A_281 : memref<5248x128xf32, #tpu.memory_space<vmem_shared>>)
        tpu.yield
      }) : () -> ()
      %add3A_240 = arith.constant 2 : i32
      %add3A_241 = arith.addi %mul3A_195, %add3A_240 : i32
      %add3A_242 = arith.constant 4 : i32
      %add3A_243 = arith.addi %add3A_241, %add3A_242 : i32
      %dma_start3A_244 = arith.constant 0 : i32
      %dma_start3A_245 = tpu.memref_slice %arg7[%add3A_243, %dma_start3A_244] : memref<84x128xi32, #tpu.memory_space<vmem>> -> memref<1x128xi32, #tpu.memory_space<vmem>>
      %dma_start3A_246 = tpu.memref_squeeze %dma_start3A_245 : memref<1x128xi32, #tpu.memory_space<vmem>> -> memref<128xi32, #tpu.memory_space<vmem>>
      %dma_start3A_247 = arith.constant 0 : i32
      %dma_start3A_248 = arith.constant 0 : i32
      %dma_start3A_249 = tpu.memref_slice %arg2[%dma_start3A_247, %dma_start3A_248] : memref<10000x128xf32, #tpu.memory_space<hbm>> -> memref<10000x128xf32, #tpu.memory_space<hbm>>
      tpu.enqueue_indirect_dma source(%dma_start3A_249 : memref<10000x128xf32, #tpu.memory_space<hbm>>) target(%arg11 : memref<128x128xf32, #tpu.memory_space<vmem>>) offsets(%dma_start3A_246 : memref<128xi32, #tpu.memory_space<vmem>>) semaphore(%arg16 : memref<!tpu.dma_semaphore, #tpu.memory_space<semaphore_mem>>)
      %dma_wait3A_250 = arith.constant 0 : i32
      %dma_wait3A_251 = arith.constant 0 : i32
      %dma_wait3A_252 = tpu.memref_slice %arg2[%dma_wait3A_250, %dma_wait3A_251] : memref<10000x128xf32, #tpu.memory_space<hbm>> -> memref<128x128xf32, #tpu.memory_space<hbm>>
      %dma_wait3A_253 = arith.constant 0 : i32
      %dma_wait3A_254 = arith.constant 0 : i32
      %dma_wait3A_255 = tpu.memref_slice %arg2[%dma_wait3A_253, %dma_wait3A_254] : memref<10000x128xf32, #tpu.memory_space<hbm>> -> memref<128x128xf32, #tpu.memory_space<hbm>>
      tpu.wait_dma2 semaphore(%arg17 : memref<!tpu.dma_semaphore, #tpu.memory_space<semaphore_mem>>) src(%dma_wait3A_255 : memref<128x128xf32, #tpu.memory_space<hbm>>) dst(%arg12 : memref<128x128xf32, #tpu.memory_space<vmem>>)
      %add3A_256 = arith.constant 3 : i32
      %add3A_257 = arith.addi %mul3A_195, %add3A_256 : i32
      "tpu.region"() ({
        %run_scoped3A_269 = tpu.sem_alloc : memref<!tpu.dma_semaphore, #tpu.memory_space<semaphore_mem>>
        %dma_start3A_270 = arith.constant 0 : i32
        %dma_start3A_271 = tpu.memref_slice %arg8[%add3A_257, %dma_start3A_270] : memref<84x128xi32, #tpu.memory_space<vmem>> -> memref<1x128xi32, #tpu.memory_space<vmem>>
        %dma_start3A_272 = tpu.memref_squeeze %dma_start3A_271 : memref<1x128xi32, #tpu.memory_space<vmem>> -> memref<128xi32, #tpu.memory_space<vmem>>
        %dma_start3A_273 = arith.constant 0 : i32
        %dma_start3A_274 = arith.constant 0 : i32
        %dma_start3A_275 = tpu.memref_slice %arg13[%dma_start3A_273, %dma_start3A_274] : memref<5248x128xf32, #tpu.memory_space<vmem_shared>> -> memref<5248x128xf32, #tpu.memory_space<vmem_shared>>
        tpu.enqueue_indirect_dma source(%arg12 : memref<128x128xf32, #tpu.memory_space<vmem>>) target(%dma_start3A_275 : memref<5248x128xf32, #tpu.memory_space<vmem_shared>>) offsets(%dma_start3A_272 : memref<128xi32, #tpu.memory_space<vmem>>) semaphore(%run_scoped3A_269 : memref<!tpu.dma_semaphore, #tpu.memory_space<semaphore_mem>>) {add = true}
        %dma_wait3A_276 = arith.constant 0 : i32
        %dma_wait3A_277 = tpu.memref_slice %arg8[%add3A_257, %dma_wait3A_276] : memref<84x128xi32, #tpu.memory_space<vmem>> -> memref<1x128xi32, #tpu.memory_space<vmem>>
        %dma_wait3A_278 = tpu.memref_squeeze %dma_wait3A_277 : memref<1x128xi32, #tpu.memory_space<vmem>> -> memref<128xi32, #tpu.memory_space<vmem>>
        %dma_wait3A_279 = arith.constant 0 : i32
        %dma_wait3A_280 = arith.constant 0 : i32
        %dma_wait3A_281 = tpu.memref_slice %arg13[%dma_wait3A_279, %dma_wait3A_280] : memref<5248x128xf32, #tpu.memory_space<vmem_shared>> -> memref<5248x128xf32, #tpu.memory_space<vmem_shared>>
        tpu.wait_indirect_dma semaphore(%run_scoped3A_269 : memref<!tpu.dma_semaphore, #tpu.memory_space<semaphore_mem>>) src(%arg12 : memref<128x128xf32, #tpu.memory_space<vmem>>) dst(%dma_wait3A_281 : memref<5248x128xf32, #tpu.memory_space<vmem_shared>>)
        tpu.yield
      }) : () -> ()
      %add3A_258 = arith.constant 3 : i32
      %add3A_259 = arith.addi %mul3A_195, %add3A_258 : i32
      %add3A_260 = arith.constant 4 : i32
      %add3A_261 = arith.addi %add3A_259, %add3A_260 : i32
      %dma_start3A_262 = arith.constant 0 : i32
      %dma_start3A_263 = tpu.memref_slice %arg7[%add3A_261, %dma_start3A_262] : memref<84x128xi32, #tpu.memory_space<vmem>> -> memref<1x128xi32, #tpu.memory_space<vmem>>
      %dma_start3A_264 = tpu.memref_squeeze %dma_start3A_263 : memref<1x128xi32, #tpu.memory_space<vmem>> -> memref<128xi32, #tpu.memory_space<vmem>>
      %dma_start3A_265 = arith.constant 0 : i32
      %dma_start3A_266 = arith.constant 0 : i32
      %dma_start3A_267 = tpu.memref_slice %arg2[%dma_start3A_265, %dma_start3A_266] : memref<10000x128xf32, #tpu.memory_space<hbm>> -> memref<10000x128xf32, #tpu.memory_space<hbm>>
      tpu.enqueue_indirect_dma source(%dma_start3A_267 : memref<10000x128xf32, #tpu.memory_space<hbm>>) target(%arg12 : memref<128x128xf32, #tpu.memory_space<vmem>>) offsets(%dma_start3A_264 : memref<128xi32, #tpu.memory_space<vmem>>) semaphore(%arg17 : memref<!tpu.dma_semaphore, #tpu.memory_space<semaphore_mem>>)
      %scan3A_268 = arith.constant 0 : i32
      scf.yield %scan3A_268 : i32
    }
    %scan3A_163 = arith.constant 20 : i32
    %dma_wait3A_164 = arith.constant 0 : i32
    %dma_wait3A_165 = arith.constant 0 : i32
    %dma_wait3A_166 = tpu.memref_slice %arg2[%dma_wait3A_164, %dma_wait3A_165] : memref<10000x128xf32, #tpu.memory_space<hbm>> -> memref<128x128xf32, #tpu.memory_space<hbm>>
    %dma_wait3A_167 = arith.constant 0 : i32
    %dma_wait3A_168 = arith.constant 0 : i32
    %dma_wait3A_169 = tpu.memref_slice %arg2[%dma_wait3A_167, %dma_wait3A_168] : memref<10000x128xf32, #tpu.memory_space<hbm>> -> memref<128x128xf32, #tpu.memory_space<hbm>>
    tpu.wait_dma2 semaphore(%arg14 : memref<!tpu.dma_semaphore, #tpu.memory_space<semaphore_mem>>) src(%dma_wait3A_169 : memref<128x128xf32, #tpu.memory_space<hbm>>) dst(%arg9 : memref<128x128xf32, #tpu.memory_space<vmem>>)
    %run_scoped3A = arith.constant 80 : i32
    "tpu.region"() ({
      %run_scoped3A_192 = tpu.sem_alloc : memref<!tpu.dma_semaphore, #tpu.memory_space<semaphore_mem>>
      %dma_start3A_193 = arith.constant 0 : i32
      %dma_start3A_194 = tpu.memref_slice %arg8[%run_scoped3A, %dma_start3A_193] : memref<84x128xi32, #tpu.memory_space<vmem>> -> memref<1x128xi32, #tpu.memory_space<vmem>>
      %dma_start3A_195 = tpu.memref_squeeze %dma_start3A_194 : memref<1x128xi32, #tpu.memory_space<vmem>> -> memref<128xi32, #tpu.memory_space<vmem>>
      %dma_start3A_196 = arith.constant 0 : i32
      %dma_start3A_197 = arith.constant 0 : i32
      %dma_start3A_198 = tpu.memref_slice %arg13[%dma_start3A_196, %dma_start3A_197] : memref<5248x128xf32, #tpu.memory_space<vmem_shared>> -> memref<5248x128xf32, #tpu.memory_space<vmem_shared>>
      tpu.enqueue_indirect_dma source(%arg9 : memref<128x128xf32, #tpu.memory_space<vmem>>) target(%dma_start3A_198 : memref<5248x128xf32, #tpu.memory_space<vmem_shared>>) offsets(%dma_start3A_195 : memref<128xi32, #tpu.memory_space<vmem>>) semaphore(%run_scoped3A_192 : memref<!tpu.dma_semaphore, #tpu.memory_space<semaphore_mem>>) {add = true}
      %dma_wait3A_199 = arith.constant 0 : i32
      %dma_wait3A_200 = tpu.memref_slice %arg8[%run_scoped3A, %dma_wait3A_199] : memref<84x128xi32, #tpu.memory_space<vmem>> -> memref<1x128xi32, #tpu.memory_space<vmem>>
      %dma_wait3A_201 = tpu.memref_squeeze %dma_wait3A_200 : memref<1x128xi32, #tpu.memory_space<vmem>> -> memref<128xi32, #tpu.memory_space<vmem>>
      %dma_wait3A_202 = arith.constant 0 : i32
      %dma_wait3A_203 = arith.constant 0 : i32
      %dma_wait3A_204 = tpu.memref_slice %arg13[%dma_wait3A_202, %dma_wait3A_203] : memref<5248x128xf32, #tpu.memory_space<vmem_shared>> -> memref<5248x128xf32, #tpu.memory_space<vmem_shared>>
      tpu.wait_indirect_dma semaphore(%run_scoped3A_192 : memref<!tpu.dma_semaphore, #tpu.memory_space<semaphore_mem>>) src(%arg9 : memref<128x128xf32, #tpu.memory_space<vmem>>) dst(%dma_wait3A_204 : memref<5248x128xf32, #tpu.memory_space<vmem_shared>>)
      tpu.yield
    }) : () -> ()
    %dma_wait3A_170 = arith.constant 0 : i32
    %dma_wait3A_171 = arith.constant 0 : i32
    %dma_wait3A_172 = tpu.memref_slice %arg2[%dma_wait3A_170, %dma_wait3A_171] : memref<10000x128xf32, #tpu.memory_space<hbm>> -> memref<128x128xf32, #tpu.memory_space<hbm>>
    %dma_wait3A_173 = arith.constant 0 : i32
    %dma_wait3A_174 = arith.constant 0 : i32
    %dma_wait3A_175 = tpu.memref_slice %arg2[%dma_wait3A_173, %dma_wait3A_174] : memref<10000x128xf32, #tpu.memory_space<hbm>> -> memref<128x128xf32, #tpu.memory_space<hbm>>
    tpu.wait_dma2 semaphore(%arg15 : memref<!tpu.dma_semaphore, #tpu.memory_space<semaphore_mem>>) src(%dma_wait3A_175 : memref<128x128xf32, #tpu.memory_space<hbm>>) dst(%arg10 : memref<128x128xf32, #tpu.memory_space<vmem>>)
    %run_scoped3A_176 = arith.constant 81 : i32
    "tpu.region"() ({
      %run_scoped3A_192 = tpu.sem_alloc : memref<!tpu.dma_semaphore, #tpu.memory_space<semaphore_mem>>
      %dma_start3A_193 = arith.constant 0 : i32
      %dma_start3A_194 = tpu.memref_slice %arg8[%run_scoped3A_176, %dma_start3A_193] : memref<84x128xi32, #tpu.memory_space<vmem>> -> memref<1x128xi32, #tpu.memory_space<vmem>>
      %dma_start3A_195 = tpu.memref_squeeze %dma_start3A_194 : memref<1x128xi32, #tpu.memory_space<vmem>> -> memref<128xi32, #tpu.memory_space<vmem>>
      %dma_start3A_196 = arith.constant 0 : i32
      %dma_start3A_197 = arith.constant 0 : i32
      %dma_start3A_198 = tpu.memref_slice %arg13[%dma_start3A_196, %dma_start3A_197] : memref<5248x128xf32, #tpu.memory_space<vmem_shared>> -> memref<5248x128xf32, #tpu.memory_space<vmem_shared>>
      tpu.enqueue_indirect_dma source(%arg10 : memref<128x128xf32, #tpu.memory_space<vmem>>) target(%dma_start3A_198 : memref<5248x128xf32, #tpu.memory_space<vmem_shared>>) offsets(%dma_start3A_195 : memref<128xi32, #tpu.memory_space<vmem>>) semaphore(%run_scoped3A_192 : memref<!tpu.dma_semaphore, #tpu.memory_space<semaphore_mem>>) {add = true}
      %dma_wait3A_199 = arith.constant 0 : i32
      %dma_wait3A_200 = tpu.memref_slice %arg8[%run_scoped3A_176, %dma_wait3A_199] : memref<84x128xi32, #tpu.memory_space<vmem>> -> memref<1x128xi32, #tpu.memory_space<vmem>>
      %dma_wait3A_201 = tpu.memref_squeeze %dma_wait3A_200 : memref<1x128xi32, #tpu.memory_space<vmem>> -> memref<128xi32, #tpu.memory_space<vmem>>
      %dma_wait3A_202 = arith.constant 0 : i32
      %dma_wait3A_203 = arith.constant 0 : i32
      %dma_wait3A_204 = tpu.memref_slice %arg13[%dma_wait3A_202, %dma_wait3A_203] : memref<5248x128xf32, #tpu.memory_space<vmem_shared>> -> memref<5248x128xf32, #tpu.memory_space<vmem_shared>>
      tpu.wait_indirect_dma semaphore(%run_scoped3A_192 : memref<!tpu.dma_semaphore, #tpu.memory_space<semaphore_mem>>) src(%arg10 : memref<128x128xf32, #tpu.memory_space<vmem>>) dst(%dma_wait3A_204 : memref<5248x128xf32, #tpu.memory_space<vmem_shared>>)
      tpu.yield
    }) : () -> ()
    %dma_wait3A_177 = arith.constant 0 : i32
    %dma_wait3A_178 = arith.constant 0 : i32
    %dma_wait3A_179 = tpu.memref_slice %arg2[%dma_wait3A_177, %dma_wait3A_178] : memref<10000x128xf32, #tpu.memory_space<hbm>> -> memref<128x128xf32, #tpu.memory_space<hbm>>
    %dma_wait3A_180 = arith.constant 0 : i32
    %dma_wait3A_181 = arith.constant 0 : i32
    %dma_wait3A_182 = tpu.memref_slice %arg2[%dma_wait3A_180, %dma_wait3A_181] : memref<10000x128xf32, #tpu.memory_space<hbm>> -> memref<128x128xf32, #tpu.memory_space<hbm>>
    tpu.wait_dma2 semaphore(%arg16 : memref<!tpu.dma_semaphore, #tpu.memory_space<semaphore_mem>>) src(%dma_wait3A_182 : memref<128x128xf32, #tpu.memory_space<hbm>>) dst(%arg11 : memref<128x128xf32, #tpu.memory_space<vmem>>)
    %run_scoped3A_183 = arith.constant 82 : i32
    "tpu.region"() ({
      %run_scoped3A_192 = tpu.sem_alloc : memref<!tpu.dma_semaphore, #tpu.memory_space<semaphore_mem>>
      %dma_start3A_193 = arith.constant 0 : i32
      %dma_start3A_194 = tpu.memref_slice %arg8[%run_scoped3A_183, %dma_start3A_193] : memref<84x128xi32, #tpu.memory_space<vmem>> -> memref<1x128xi32, #tpu.memory_space<vmem>>
      %dma_start3A_195 = tpu.memref_squeeze %dma_start3A_194 : memref<1x128xi32, #tpu.memory_space<vmem>> -> memref<128xi32, #tpu.memory_space<vmem>>
      %dma_start3A_196 = arith.constant 0 : i32
      %dma_start3A_197 = arith.constant 0 : i32
      %dma_start3A_198 = tpu.memref_slice %arg13[%dma_start3A_196, %dma_start3A_197] : memref<5248x128xf32, #tpu.memory_space<vmem_shared>> -> memref<5248x128xf32, #tpu.memory_space<vmem_shared>>
      tpu.enqueue_indirect_dma source(%arg11 : memref<128x128xf32, #tpu.memory_space<vmem>>) target(%dma_start3A_198 : memref<5248x128xf32, #tpu.memory_space<vmem_shared>>) offsets(%dma_start3A_195 : memref<128xi32, #tpu.memory_space<vmem>>) semaphore(%run_scoped3A_192 : memref<!tpu.dma_semaphore, #tpu.memory_space<semaphore_mem>>) {add = true}
      %dma_wait3A_199 = arith.constant 0 : i32
      %dma_wait3A_200 = tpu.memref_slice %arg8[%run_scoped3A_183, %dma_wait3A_199] : memref<84x128xi32, #tpu.memory_space<vmem>> -> memref<1x128xi32, #tpu.memory_space<vmem>>
      %dma_wait3A_201 = tpu.memref_squeeze %dma_wait3A_200 : memref<1x128xi32, #tpu.memory_space<vmem>> -> memref<128xi32, #tpu.memory_space<vmem>>
      %dma_wait3A_202 = arith.constant 0 : i32
      %dma_wait3A_203 = arith.constant 0 : i32
      %dma_wait3A_204 = tpu.memref_slice %arg13[%dma_wait3A_202, %dma_wait3A_203] : memref<5248x128xf32, #tpu.memory_space<vmem_shared>> -> memref<5248x128xf32, #tpu.memory_space<vmem_shared>>
      tpu.wait_indirect_dma semaphore(%run_scoped3A_192 : memref<!tpu.dma_semaphore, #tpu.memory_space<semaphore_mem>>) src(%arg11 : memref<128x128xf32, #tpu.memory_space<vmem>>) dst(%dma_wait3A_204 : memref<5248x128xf32, #tpu.memory_space<vmem_shared>>)
      tpu.yield
    }) : () -> ()
    %dma_wait3A_184 = arith.constant 0 : i32
    %dma_wait3A_185 = arith.constant 0 : i32
    %dma_wait3A_186 = tpu.memref_slice %arg2[%dma_wait3A_184, %dma_wait3A_185] : memref<10000x128xf32, #tpu.memory_space<hbm>> -> memref<128x128xf32, #tpu.memory_space<hbm>>
    %dma_wait3A_187 = arith.constant 0 : i32
    %dma_wait3A_188 = arith.constant 0 : i32
    %dma_wait3A_189 = tpu.memref_slice %arg2[%dma_wait3A_187, %dma_wait3A_188] : memref<10000x128xf32, #tpu.memory_space<hbm>> -> memref<128x128xf32, #tpu.memory_space<hbm>>
    tpu.wait_dma2 semaphore(%arg17 : memref<!tpu.dma_semaphore, #tpu.memory_space<semaphore_mem>>) src(%dma_wait3A_189 : memref<128x128xf32, #tpu.memory_space<hbm>>) dst(%arg12 : memref<128x128xf32, #tpu.memory_space<vmem>>)
    %run_scoped3A_190 = arith.constant 83 : i32
    "tpu.region"() ({
      %run_scoped3A_192 = tpu.sem_alloc : memref<!tpu.dma_semaphore, #tpu.memory_space<semaphore_mem>>
      %dma_start3A_193 = arith.constant 0 : i32
      %dma_start3A_194 = tpu.memref_slice %arg8[%run_scoped3A_190, %dma_start3A_193] : memref<84x128xi32, #tpu.memory_space<vmem>> -> memref<1x128xi32, #tpu.memory_space<vmem>>
      %dma_start3A_195 = tpu.memref_squeeze %dma_start3A_194 : memref<1x128xi32, #tpu.memory_space<vmem>> -> memref<128xi32, #tpu.memory_space<vmem>>
      %dma_start3A_196 = arith.constant 0 : i32
      %dma_start3A_197 = arith.constant 0 : i32
      %dma_start3A_198 = tpu.memref_slice %arg13[%dma_start3A_196, %dma_start3A_197] : memref<5248x128xf32, #tpu.memory_space<vmem_shared>> -> memref<5248x128xf32, #tpu.memory_space<vmem_shared>>
      tpu.enqueue_indirect_dma source(%arg12 : memref<128x128xf32, #tpu.memory_space<vmem>>) target(%dma_start3A_198 : memref<5248x128xf32, #tpu.memory_space<vmem_shared>>) offsets(%dma_start3A_195 : memref<128xi32, #tpu.memory_space<vmem>>) semaphore(%run_scoped3A_192 : memref<!tpu.dma_semaphore, #tpu.memory_space<semaphore_mem>>) {add = true}
      %dma_wait3A_199 = arith.constant 0 : i32
      %dma_wait3A_200 = tpu.memref_slice %arg8[%run_scoped3A_190, %dma_wait3A_199] : memref<84x128xi32, #tpu.memory_space<vmem>> -> memref<1x128xi32, #tpu.memory_space<vmem>>
      %dma_wait3A_201 = tpu.memref_squeeze %dma_wait3A_200 : memref<1x128xi32, #tpu.memory_space<vmem>> -> memref<128xi32, #tpu.memory_space<vmem>>
      %dma_wait3A_202 = arith.constant 0 : i32
      %dma_wait3A_203 = arith.constant 0 : i32
      %dma_wait3A_204 = tpu.memref_slice %arg13[%dma_wait3A_202, %dma_wait3A_203] : memref<5248x128xf32, #tpu.memory_space<vmem_shared>> -> memref<5248x128xf32, #tpu.memory_space<vmem_shared>>
      tpu.wait_indirect_dma semaphore(%run_scoped3A_192 : memref<!tpu.dma_semaphore, #tpu.memory_space<semaphore_mem>>) src(%arg12 : memref<128x128xf32, #tpu.memory_space<vmem>>) dst(%dma_wait3A_204 : memref<5248x128xf32, #tpu.memory_space<vmem_shared>>)
      tpu.yield
    }) : () -> ()
    %barrier3A_191 = arith.constant 0 : index
    tpu.barrier barrier_id(%barrier3A_191)
    "tpu.region"() ({
      %run_scoped3A_192 = tpu.sem_alloc : memref<!tpu.dma_semaphore, #tpu.memory_space<semaphore_mem>>
      %dma_start3A_193 = arith.constant 0 : i32
      %dma_start3A_194 = tpu.memref_slice %arg6[%arg0, %mul3A_0, %dma_start3A_193] : memref<2x5248x128xf32, #tpu.memory_space<hbm>> -> memref<1x328x128xf32, #tpu.memory_space<hbm>>
      %dma_start3A_195 = tpu.memref_squeeze %dma_start3A_194 : memref<1x328x128xf32, #tpu.memory_space<hbm>> -> memref<328x128xf32, #tpu.memory_space<hbm>>
      %dma_start3A_196 = arith.constant 0 : i32
      %dma_start3A_197 = tpu.memref_slice %arg13[%mul3A_0, %dma_start3A_196] : memref<5248x128xf32, #tpu.memory_space<vmem_shared>> -> memref<328x128xf32, #tpu.memory_space<vmem_shared>>
      tpu.enqueue_dma source(%dma_start3A_197 : memref<328x128xf32, #tpu.memory_space<vmem_shared>>) target(%dma_start3A_195 : memref<328x128xf32, #tpu.memory_space<hbm>>) target_semaphore(%run_scoped3A_192 : memref<!tpu.dma_semaphore, #tpu.memory_space<semaphore_mem>>)
      %dma_wait3A_198 = arith.constant 0 : i32
      %dma_wait3A_199 = tpu.memref_slice %arg6[%arg0, %mul3A_0, %dma_wait3A_198] : memref<2x5248x128xf32, #tpu.memory_space<hbm>> -> memref<1x328x128xf32, #tpu.memory_space<hbm>>
      %dma_wait3A_200 = tpu.memref_squeeze %dma_wait3A_199 : memref<1x328x128xf32, #tpu.memory_space<hbm>> -> memref<328x128xf32, #tpu.memory_space<hbm>>
      %dma_wait3A_201 = arith.constant 0 : i32
      %dma_wait3A_202 = tpu.memref_slice %arg13[%mul3A_0, %dma_wait3A_201] : memref<5248x128xf32, #tpu.memory_space<vmem_shared>> -> memref<328x128xf32, #tpu.memory_space<vmem_shared>>
      tpu.wait_dma2 semaphore(%run_scoped3A_192 : memref<!tpu.dma_semaphore, #tpu.memory_space<semaphore_mem>>) src(%dma_wait3A_202 : memref<328x128xf32, #tpu.memory_space<vmem_shared>>) dst(%dma_wait3A_200 : memref<328x128xf32, #tpu.memory_space<hbm>>)
      tpu.yield
    }) : () -> ()
    return
  }
}

module attributes {stable_mosaic.version = 14 : i64} {
  func.func @_lin_body(%arg0: i32, %arg1: memref<1x1000x128xf32, #tpu.memory_space<vmem>>, %arg2: memref<128x128xf32, #tpu.memory_space<vmem>>, %arg3: memref<1x128xf32, #tpu.memory_space<vmem>>, %arg4: memref<1000x128xf32, #tpu.memory_space<vmem>>) attributes {dimension_semantics = [#tpu.dimension_semantics<arbitrary>], iteration_bounds = array<i64: 10>, scalar_prefetch = 0 : i64, scratch_operands = 0 : i64, tpu.core_type = #tpu.core_type<tc>, window_params = [{transform_indices = @transform_0, window_bounds = array<i64: 1, 1000, 128>}, {pipeline_mode = #tpu.pipeline_mode<synchronous>, transform_indices = @transform_1, window_bounds = array<i64: 128, 128>}, {pipeline_mode = #tpu.pipeline_mode<synchronous>, transform_indices = @transform_2, window_bounds = array<i64: 1, 128>}, {transform_indices = @transform_3, window_bounds = array<i64: 1000, 128>}]} {
    %get3A = arith.constant 0 : index
    %get3A_0 = arith.constant 0 : index
    %get3A_1 = arith.constant 0 : index
    %get3A_2 = vector.load %arg1[%get3A, %get3A_0, %get3A_1] : memref<1x1000x128xf32, #tpu.memory_space<vmem>>, vector<1x1000x128xf32>
    %get3A_3 = vector.shape_cast %get3A_2 : vector<1x1000x128xf32> to vector<1000x128xf32>
    %get3A_4 = arith.constant 0 : index
    %get3A_5 = arith.constant 0 : index
    %get3A_6 = vector.load %arg2[%get3A_4, %get3A_5] : memref<128x128xf32, #tpu.memory_space<vmem>>, vector<128x128xf32>
    %dot_general3A = arith.constant dense<0.000000e+00> : vector<1000x128xf32>
    %dot_general3A_7 = tpu.matmul %get3A_3, %get3A_6, %dot_general3A {dimension_numbers = #tpu.dot_dimension_numbers<[1], [1], [0], [0], [0, 0, 1, 0], [], []>, transpose_lhs_hint = false} : vector<1000x128xf32>, vector<128x128xf32>, vector<1000x128xf32> -> vector<1000x128xf32>
    %get3A_8 = arith.constant 0 : index
    %get3A_9 = arith.constant 0 : index
    %get3A_10 = vector.load %arg3[%get3A_8, %get3A_9] : memref<1x128xf32, #tpu.memory_space<vmem>>, vector<1x128xf32>
    %add3A = vector.broadcast %get3A_10 : vector<1x128xf32> to vector<1000x128xf32>
    %add3A_11 = arith.addf %dot_general3A_7, %add3A : vector<1000x128xf32>
    %swap3A = arith.constant 0 : index
    %swap3A_12 = arith.constant 0 : index
    %swap3A_13 = vector.load %arg4[%swap3A, %swap3A_12] : memref<1000x128xf32, #tpu.memory_space<vmem>>, vector<1000x128xf32>
    tpu.vector_store %arg4[%swap3A, %swap3A_12], %add3A_11 {strides = array<i32>} : memref<1000x128xf32, #tpu.memory_space<vmem>>, vector<1000x128xf32>,
    return
  }
  func.func @transform_0(%arg0: i32) -> (i32, i32, i32) {
    %jit3A = arith.constant 5 : i32
    %div3A = arith.divsi %arg0, %jit3A : i32
    %sign3A = arith.constant 0 : i32
    %sign3A_0 = arith.cmpi sgt, %arg0, %sign3A : i32
    %sign3A_1 = arith.extui %sign3A_0 : i1 to i32
    %sign3A_2 = arith.constant 0 : i32
    %sign3A_3 = arith.cmpi slt, %arg0, %sign3A_2 : i32
    %sign3A_4 = arith.extui %sign3A_3 : i1 to i32
    %sign3A_5 = arith.subi %sign3A_1, %sign3A_4 : i32
    %sign3A_6 = arith.constant 0 : i32
    %sign3A_7 = arith.cmpi sgt, %jit3A, %sign3A_6 : i32
    %sign3A_8 = arith.extui %sign3A_7 : i1 to i32
    %sign3A_9 = arith.constant 0 : i32
    %sign3A_10 = arith.cmpi slt, %jit3A, %sign3A_9 : i32
    %sign3A_11 = arith.extui %sign3A_10 : i1 to i32
    %sign3A_12 = arith.subi %sign3A_8, %sign3A_11 : i32
    %ne3A = arith.cmpi ne, %sign3A_5, %sign3A_12 : i32
    %rem3A = arith.remsi %arg0, %jit3A : i32
    %ne3A_13 = arith.constant 0 : i32
    %ne3A_14 = arith.cmpi ne, %rem3A, %ne3A_13 : i32
    %and3A = arith.andi %ne3A, %ne3A_14 : i1
    %sub3A = arith.constant 1 : i32
    %sub3A_15 = arith.subi %div3A, %sub3A : i32
    %select_n3A = arith.select %and3A, %sub3A_15, %div3A : i32
    %jit3A_16 = arith.constant 5 : i32
    %eq3A = arith.constant 0 : i32
    %eq3A_17 = arith.cmpi eq, %jit3A_16, %eq3A : i32
    %jit3A_18 = arith.constant 1 : i32
    %select_n3A_19 = arith.select %eq3A_17, %jit3A_18, %jit3A_16 : i32
    %rem3A_20 = arith.remsi %arg0, %select_n3A_19 : i32
    %ne3A_21 = arith.constant 0 : i32
    %ne3A_22 = arith.cmpi ne, %rem3A_20, %ne3A_21 : i32
    %lt3A = arith.constant 0 : i32
    %lt3A_23 = arith.cmpi slt, %rem3A_20, %lt3A : i32
    %lt3A_24 = arith.constant 0 : i32
    %lt3A_25 = arith.cmpi slt, %select_n3A_19, %lt3A_24 : i32
    %ne3A_26 = arith.xori %lt3A_23, %lt3A_25 : i1
    %and3A_27 = arith.andi %ne3A_26, %ne3A_22 : i1
    %add3A = arith.addi %rem3A_20, %select_n3A_19 : i32
    %select_n3A_28 = arith.select %and3A_27, %add3A, %rem3A_20 : i32
    %c0_i32 = arith.constant 0 : i32
    %c0_i32_29 = arith.constant 0 : i32
    return %select_n3A, %select_n3A_28, %c0_i32 : i32, i32, i32
  }
  func.func @transform_1(%arg0: i32) -> (i32, i32) {
    %c0_i32 = arith.constant 0 : i32
    %c0_i32_0 = arith.constant 0 : i32
    %c0_i32_1 = arith.constant 0 : i32
    return %c0_i32, %c0_i32_0 : i32, i32
  }
  func.func @transform_2(%arg0: i32) -> (i32, i32) {
    %c0_i32 = arith.constant 0 : i32
    %c0_i32_0 = arith.constant 0 : i32
    %c0_i32_1 = arith.constant 0 : i32
    return %c0_i32, %c0_i32_0 : i32, i32
  }
  func.func @transform_3(%arg0: i32) -> (i32, i32) {
    %c0_i32 = arith.constant 0 : i32
    %c0_i32_0 = arith.constant 0 : i32
    return %arg0, %c0_i32 : i32, i32
  }
}

</mosaic_0001>

<sc_bundles>
// kernel: kernel.5.cloned.1.call-start
scs
__scs_entry_jumppad:
0x0: {  	(pc) =	sbr.rel $0x88, $3  }
0x1: {  	(tag) =	ssettag $0x0;
	lr =	simm.s32 $0x1  }
0x2: {  	[smem:$0x3F9D] =	sst lr;
	_ =	strace $0xD0000000  }
0x3: {  	_ = 	snop  }
0x4: {  	_ = 	snop  }
0x5: {  	_ = 	snop  }
0x6: {  	_ = 	snop  }
0x7: {  	_ = 	snop  }
__scs_overlays_trampoline_lowered:
0x8: {  	[smem:$0x3FAC] =	sst s0  }
0x9: {  	[smem:$0x3FAD] =	sst s1  }
0xa: {  	[smem:$0x3FAE] =	sst s2  }
0xb: {  	[smem:$0x3FAF] =	sst s3  }
0xc: {  	[smem:$0x3FB0] =	sst s4  }
0xd: {  	[smem:$0x3FB1] =	sst s5  }
0xe: {  	[smem:$0x3FB2] =	sst s6  }
0xf: {  	[smem:$0x3FB3] =	sst s7  }
0x10: {  	[smem:$0x3FB4] =	sst s8  }
0x11: {  	[smem:$0x3FB5] =	sst s9;
	s0 =	simm.s32 @!p0 $0x0  }
0x12: {  	s1 =	sld [smem:$0x3F9B];
	s0 =	simm.s32 @p0 $0x1  }
0x13: {  	[smem:$0x3FB6] =	sst s0;
	s0 =	simm.s32 @!p1 $0x0  }
0x14: {  	s2 =	sld [smem:$0x3F9A];
	s0 =	simm.s32 @p1 $0x1  }
0x15: {  	[smem:$0x3FB7] =	sst s0;
	s0 =	simm.s32 @!p2 $0x0  }
0x16: {  	s3 =	sld [smem:$0x3FDB];
	s0 =	simm.s32 @p2 $0x1  }
0x17: {  	s4 =	simm.s32 $0x1BF5;
	[smem:$0x3FB9] =	sst s0  }
0x18: {  	s0 =	sld [smem:$0x3F9C];
	_ =	swait.ge [sflag:s4], $0x0  }
0x19: {  	s7 =	sld [smem:$0x3F9D]  }
0x1a: {  	s8 =	sadd.s32 $0xFFFFE003, lr  }
0x1b: {  	s9 =	sadd.s32 $0xFFFFFEF7, lr;
	s5 =	simm.s32 $0xFFFFFFFF;
	p2 =	slt.u32 s8, $0xFFFFF086  }
0x1c: {  	p1 =	slt.u32 s9, $0xF7A;
	s5 =	simm.s32 @!p2 $0x0  }
0x1d: {  	s5 =	simm.s32 @p1 $0x1;
	p0 =	seq.s32 s7, s2  }
0x1e: {  	s7 =	smul.u32 @!p0 $0xF7A, s2;
	p2 =	seq.s32 @!p0 s5, $0x0  }
0x1f: {  	s9 =	smul.u32 $0xF7A, s1;
	s8 =	simm.s32 @!p0 $0x1BF5;
	p2 =	por !p2, p0  }
0x20: {  	[sflag:s8] =	ssyncset.s32 @!p0 $0xFFFFF086;
	s6 =	sadd.s32 @!p0 s3, s7;
	s7 =	simm.s32 @!p0 $0x108  }
0x21: {  	s3 =	sadd.s32 s3, s9;
	s6 =	sadd.s32 @!p0 $0x88, s6;
	s7 =	simm.s32 @p2 $0x1082  }
0x22: {  	[simem:s7], [sflag:s8] =	dma.local @!p0 [hbm:s6], $0xF7A  }
0x23: {  	s9 =	sor.u32 $0xD0000000, s2;
	s6 =	simm.s32 $0x108;
	_ =	swait.ge @!p0 [sflag:s8], $0x0  }
0x24: {  	s3 =	sadd.s32 $0x88, s3;
	s6 =	simm.s32 @!p1 $0x1082;
	[sflag:s4] =	ssyncset.s32 $0xFFFFF086  }
0x25: {  	[simem:s6], [sflag:s4] =	dma.local [hbm:s3], $0xF7A  }
0x26: {  	[smem:$0x3F9D] =	sst s1;
	(tag) =	ssettag s2;
	_ =	strace s9  }
0x27: {  	s1 =	sld [smem:$0x3FAD]  }
0x28: {  	s2 =	sld [smem:$0x3FAE]  }
0x29: {  	s4 =	sld [smem:$0x3FB0]  }
0x2a: {  	p0 =	seq.s32 s5, $0x0;
	s5 =	sld [smem:$0x3FB1]  }
0x2b: {  	s6 =	sld [smem:$0x3FB2]  }
0x2c: {  	s7 =	sld [smem:$0x3FB3]  }
0x2d: {  	s3 =	simm.s32 $0x108;
	s8 =	sld [smem:$0x3FB4]  }
0x2e: {  	s3 =	simm.s32 @!p0 $0x1082;
	s9 =	sld [smem:$0x3FB5]  }
0x2f: {  	lr =	sadd.s32 s0, s3;
	s0 =	sld [smem:$0x3FAC]  }
0x30: {  	s3 =	sld [smem:$0x3FAF]  }
0x31: {  	[smem:$0x3FB8] =	sst s10  }
0x32: {  	s10 =	sld [smem:$0x3FB6];
	_ =	sdelay $0x3  }
0x33: {  	p0 =	seq.s32 s10, $0x1;
	s10 =	sld [smem:$0x3FB8];
	_ =	sdelay $0x3  }
0x34: {  	[smem:$0x3FB8] =	sst s10  }
0x35: {  	s10 =	sld [smem:$0x3FB7];
	_ =	sdelay $0x3  }
0x36: {  	p1 =	seq.s32 s10, $0x1;
	s10 =	sld [smem:$0x3FB8];
	_ =	sdelay $0x3  }
0x37: {  	[smem:$0x3FB8] =	sst s10  }
0x38: {  	s10 =	sld [smem:$0x3FB9]  }
0x39: {  	_ = 	snop;
	(pc) =	sbr.ind lr, $3  }
0x3a: {  	_ = 	snop  }
0x3b: {  	_ = 	snop  }
0x3c: {  	p2 =	seq.s32 s10, $0x1;
	s10 =	sld [smem:$0x3FB8]  }
0x3d: {  	_ =	shalt  }
0x3e: {  	_ =	shalt  }
0x3f: {  	_ =	shalt  }
0x40: {  	_ =	shalt  }
0x41: {  	_ =	shalt  }
0x42: {  	_ =	shalt  }
0x43: {  	_ =	shalt  }
0x44: {  	_ =	shalt  }
0x45: {  	_ =	shalt  }
0x46: {  	_ =	shalt  }
0x47: {  	_ =	shalt  }
0x48: {  	_ =	shalt  }
0x49: {  	_ =	shalt  }
0x4a: {  	_ =	shalt  }
0x4b: {  	_ =	shalt  }
0x4c: {  	_ =	shalt  }
0x4d: {  	_ =	shalt  }
0x4e: {  	_ =	shalt  }
0x4f: {  	_ =	shalt  }
0x50: {  	_ =	shalt  }
0x51: {  	_ =	shalt  }
0x52: {  	_ =	shalt  }
0x53: {  	_ =	shalt  }
0x54: {  	_ =	shalt  }
0x55: {  	_ =	shalt  }
0x56: {  	_ =	shalt  }
0x57: {  	_ =	shalt  }
0x58: {  	_ =	shalt  }
0x59: {  	_ =	shalt  }
0x5a: {  	_ =	shalt  }
0x5b: {  	_ =	shalt  }
0x5c: {  	_ =	shalt  }
0x5d: {  	_ =	shalt  }
0x5e: {  	_ =	shalt  }
0x5f: {  	_ =	shalt  }
0x60: {  	_ =	shalt  }
0x61: {  	_ =	shalt  }
0x62: {  	_ =	shalt  }
0x63: {  	_ =	shalt  }
0x64: {  	_ =	shalt  }
0x65: {  	_ =	shalt  }
0x66: {  	_ =	shalt  }
0x67: {  	_ =	shalt  }
0x68: {  	_ =	shalt  }
0x69: {  	_ =	shalt  }
0x6a: {  	_ =	shalt  }
0x6b: {  	_ =	shalt  }
0x6c: {  	_ =	shalt  }
0x6d: {  	_ =	shalt  }
0x6e: {  	_ =	shalt  }
0x6f: {  	_ =	shalt  }
0x70: {  	_ =	shalt  }
0x71: {  	_ =	shalt  }
0x72: {  	_ =	shalt  }
0x73: {  	_ =	shalt  }
0x74: {  	_ =	shalt  }
0x75: {  	_ =	shalt  }
0x76: {  	_ =	shalt  }
0x77: {  	_ =	shalt  }
0x78: {  	_ =	shalt  }
0x79: {  	_ =	shalt  }
0x7a: {  	_ =	shalt  }
0x7b: {  	_ =	shalt  }
0x7c: {  	_ =	shalt  }
0x7d: {  	_ =	shalt  }
0x7e: {  	_ =	shalt  }
0x7f: {  	_ =	shalt  }
0x80: {  	_ =	shalt  }
0x81: {  	_ =	shalt  }
0x82: {  	_ =	shalt  }
0x83: {  	_ =	shalt  }
0x84: {  	_ =	shalt  }
0x85: {  	_ =	shalt  }
0x86: {  	_ =	shalt  }
0x87: {  	_ =	shalt  }
.Lfunc_end0:
.L_simem_size_0:
called_computation_lowered:
.L_overlay_start_0:
0x88: {  	s2 =	sld [smem:$0x3FD9]  }
0x89: {  	s3 =	sld [smem:$0x3FFE];
	_ =	sdelay $0x1  }
0x8a: {  	s1 =	srdreg.scid  }
0x8b: {  	s0 =	sand.u32 $0x1, s1  }
0x8c: {  	s17 =	sshll.u32 s0, $0xA;
	s2 =	sadd.s32 s3, s2  }
0x8d: {  	s2 =	sadd.s32 s2, s17  }
0x8e: {  	[smem:$0x3FC4] =	sst s2  }
0x8f: {  	_ = 	snop  }
0x90: {  	s2 =	sld [smem:$0x3FD0];
	(tm) =	ssettm $0x1  }
0x91: {  	s18 =	sld [smem:$0x3FFB];
	_ =	sdelay $0x3  }
0x92: {  	_ =	strace s18  }
0x93: {  	s3 =	sld [smem:$0x3FFC];
	_ =	sdelay $0x3  }
0x94: {  	_ =	strace s3  }
0x95: {  	s3 =	sld [smem:$0x3FFD];
	_ =	sdelay $0x3  }
0x96: {  	_ =	strace s3  }
0x97: {  	_ =	strace $0x8FFFFFFF  }
0x98: {  	s19 =	sld [smem:$0x3FDB];
	_ =	sdelay $0x1  }
0x99: {  	s4 =	simm.s32 $_scs_section_size  }
0x9a: {  	s5 =	simm.s32 $_size__tile_overlayer_lowered;
	s6 =	simm.s32 $_tile_overlayer_lowered  }
0x9b: {  	s22 =	simm.s32 $0x1BFF;
	s21 =	sshll.u32 s6, $0x1;
	s3 =	sadd.s32 s4, s19  }
0x9c: {  	s7 =	simm.s32 $0x0;
	s20 =	sshll.u32 s5, $0x1;
	s5 =	sadd.s32 s21, s3  }
0x9d: {  	[timem:s7], [sflag:s22] =	dma.local [hbm:s5], s20  }
0x9e: {  	_ =	swait.ge [sflag:s22], s20  }
0x9f: {  	s4 =	ssub.s32 $0x0, s20;
	[sflag:s22] =	ssyncset.done $0x0  }
0xa0: {  	[sflag:s22] =	ssyncadd.s32 s4;
	_ =	sdelay $0x1  }
0xa1: {  	s23 =	simm.s32 $0x1B8B  }
0xa2: {  	_ =	swait.ge [sflag:s23], $0x1  }
0xa3: {  	[sflag:s23] =	ssyncset.done $0x0  }
0xa4: {  	s25 =	simm.s32 $0x1B8E;
	s24 =	sld [smem:$0x3FFE];
	[sflag:s23] =	ssyncadd.s32 $0xFFFFFFFF  }
0xa5: {  	s26 =	simm.s32 $execute0_lowered;
	[smem:$0x3FD2] =	sst s25  }
0xa6: {  	s5 =	sshll.u32 s26, $0x1;
	_ =	strace $0x80000046;
	[dreg:$0x1] =	wrdreg $0xFFFFFFFF  }
0xa7: {  	s28 =	simm.s32 $_size_execute0_lowered;
	s3 =	sadd.s32 s3, s5;
	[dreg:$0x0] =	wrdreg $0x0  }
0xa8: {  	s5 =	sshll.u32 s28, $0x1;
	[dreg:$0x2] =	wrdreg s3  }
0xa9: {  	[dreg:$0x3] =	wrdreg s5  }
0xaa: {  	[dreg:$0x4] =	wrdreg $0xC0  }
0xab: {  	_ =	task [dreg:s7], $0x5FFFF  }
0xac: {  	[dreg:$0x1] =	wrdreg $0xFFFFFFFF  }
0xad: {  	[dreg:$0x0] =	wrdreg $0x60  }
0xae: {  	[dreg:$0x2] =	wrdreg s24  }
0xaf: {  	[dreg:$0x3] =	wrdreg s2  }
0xb0: {  	[dreg:$0x4] =	wrdreg $0x9  }
0xb1: {  	_ =	task.clear_ibuf [dreg:s7], $0x5FFFF;
	_ =	strace $0x90000046  }
0xb2: {  	s29 =	simm.s32 $0x9;
	_ =	strace $0x80000048  }
0xb3: {  	_ =	swait.ge [sflag:s29], $0x1  }
0xb4: {  	[sflag:s29] =	ssyncadd.s32 $0xFFFFFFFF  }
0xb5: {  	_ =	strace $0x90000048  }
0xb6: {  	_ =	sfence  }
0xb7: {  	s30 =	sld [smem:$0x0];
	_ =	sdelay $0x2  }
0xb8: {  	s31 =	sshll.u32 s1, $0xD;
	s1 =	sshrl.u32 s1, $0x2  }
0xb9: {  	s3 =	sand.u32 $0x4000, s31;
	s1 =	sadd.s32 s1, s30  }
0xba: {  	s0 =	sor.u32 s3, s0;
	s1 =	sshll.u32 s1, $0x11  }
0xbb: {  	s0 =	sor.u32 s1, s0  }
0xbc: {  	s0 =	sadd.s32 $0x8F2B, s0  }
0xbd: {  	[sflag:s0] =	ssyncadd.remote.s32 $0x1  }
0xbe: {  	_ =	sfence.sel $0xFFFF  }
0xbf: {  	[dreg:$0x0] =	wrdreg $0xFFFFFFFF;
	(pc) =	sbr.abs _section_cstart, $3  }
0xc0: {  	[dreg:$0x1] =	wrdreg $0xFFFFFFFF  }
0xc1: {  	_ =	task.clear_ibuf [dreg:s7], $0x2FFFF;
	_ =	strace $0x9FFFFFFF  }
0xc2: {  	(tm) =	ssettm $0x7FFFFFFF  }
0xc3: {  	_ =	shalt  }
tec
execute0_lowered:
.L_overlay_start_1:
0x0: {  	(tag) =	ssettag $0x1  }
0x1: {  	s3 =	rddreg [dreg:$0x0]  }
0x2: {  	s0 =	srdreg.scid;
	s7 =	rddreg [dreg:$0x1]  }
0x3: {  	s1 =	stileid.u32;
	s2 =	simm.s32 $0x0;
	s11 =	simm.s32 $0x1  }
0x4: {  	s12 =	simm.s32 $0x80;
	s13 =	simm.s32 $0x400;
	s14 =	simm.s32 $0x4F00  }
0x5: {  	s15 =	simm.s32 $0x6480;
	s16 =	simm.s32 $0x7A00;
	s4 =	sand.u32 $0x1, s0  }
0x6: {  	s17 =	simm.s32 $0x8F80;
	s18 =	simm.s32 $0x2;
	s5 =	sshll.u32 s4, $0x4  }
0x7: {  	s19 =	simm.s32 $0x0;
	s0 =	rddreg [dreg:$0x2];
	s5 =	sor.u32 s1, s5  }
0x8: {  	[smem:$0x7FF] =	sst s2;
	s6 =	smul.u32 $0x4E2, s5;
	s5 =	sshrl.u32 s5, $0x3  }
0x9: {  	s8 =	sshll.u32 s1, $0x7;
	s9 =	sadd.s32 $0x14800, s3;
	s5 =	smul.u32 $0xA800, s5  }
0xa: {  	_ =	strace $0x80000047;
	s4 =	ssub.s32 $0x2, s4;
	s8 =	sand.u32 $0x380, s8  }
0xb: {  	s30 =	sshrl.u32 s4, $0x1;
	s6 =	sadd.s32 s6, s3;
	s5 =	sor.u32 s8, s5  }
0xc: {  	v0 =	vlaneseq.u32;
	s10 =	ssub.s32 s4, s30;
	s3 =	sadd.s32 $0xAA00, s6;
	s8 =	sadd.s32 $0x2A000, s5  }
0xd: {  	v2 =	vmul.u32 $0xFFFFFFFF, v0;
	s4 =	sadd.s32 $0xC00, s6;
	s31 =	sshrl.u32 s5, $0x3;
	s8 =	sshrl.u32 s8, $0x3  }
0xe: {  	s5 =	sadd.s32 s7, s31;
	s6 =	sadd.s32 s9, s31;
	s7 =	sadd.s32 s7, s8  }
0xf: {  	v1 =	vimm.s32 $0x1388;
	v2 =	vadd.s32 $0xF, v2;
	s8 =	sadd.s32 s9, s8;
	s9 =	smax.u32 s10, $0x1;
	s10 =	simm.s32 $0x2780  }
.LBB2_1:
0x10: {  	[tilespmem:s2], [sflag:$0x1] =	stream.linear.gather [hbm4b:s3+s2], $0x2710, $0x38;
	[tilespmem:$0xA500] =	vst v63  }
0x11: {  	_ = 	snop  }
0x12: {  	v3 =	vor.u32 s2, v0;
	[tilespmem:s10], [sflag:$0x1] =	stream.linear.gather [hbm4b:s4+s2], $0x2710, $0x38;
	[tilespmem:$0xA500] =	vst v63  }
0x13: {  	[tilespmem:s14+$0x0] =	vst v3  }
0x14: {  	s21 =	simm.s32 $0x10;
	s20 =	simm.s32 $0x8F80;
	[tilespmem:s15+$0x0] =	vst v1  }
0x15: {  	s22 =	simm.s32 $0x4F00;
	s23 =	simm.s32 $0x6480;
	s24 =	simm.s32 $0x7A00;
	[tilespmem:s16+$0x0] =	vst v3  }
.LBB2_2:
0x16: {  	v3 =	vor.u32 s21, v0;
	[tilespmem:s20+$0x0] =	vst v1;
	s22 =	sadd.s32 $0x10, s22;
	p0 =	sne.s32 s21, $0x1500  }
.Ltmp0:
0x17: {  	[tilespmem:s22+$0x0] =	vst v3;
	(pc) =	sbr.rel @p0 .LBB2_2-.Ltmp0, $4  }
0x18: {  	_ = 	snop  }
0x19: {  	s23 =	sadd.s32 $0x10, s23  }
0x1a: {  	s24 =	sadd.s32 $0x10, s24;
	[tilespmem:s23+$0x0] =	vst v1  }
0x1b: {  	s21 =	sadd.s32 $0x10, s21;
	s20 =	sadd.s32 $0x10, s20;
	[tilespmem:s24+$0x0] =	vst v3  }
0x1c: {  	[tilespmem:s20+$0x0] =	vst v1  }
0x1d: {  	_ =	swait.ge [sflag:s11], $0x2710  }
0x1e: {  	[sflag:s11] =	ssyncset.done $0x0  }
0x1f: {  	[sflag:s11] =	ssyncadd.s32 $0xFFFFD8F0  }
0x20: {  	_ =	swait.ge [sflag:s11], $0x2710  }
0x21: {  	[sflag:s11] =	ssyncset.done $0x0  }
0x22: {  	s29 =	simm.s32 $0x0;
	[sflag:s11] =	ssyncadd.s32 $0xFFFFD8F0  }
0x23: {  	v3 =	vld [tilespmem:s29+$0x2780]  }
0x24: {  	v4 =	vld [tilespmem:s29+$0x0];
	_ =	sdelay $0x3  }
0x25: {  	v3 =	vxor.u32 $0x80000000, v3  }
0x26: {  	(xrf1) =	vsort.ascd.msk.u32 $0xffff, v3, v4;
	_ =	sdelay $0xd  }
0x27: {  	v3, v4, _ =	vpop (xrf1)  }
0x28: {  	s30 =	simm.s32 $0x0;
	v3 =	vxor.u32 $0x80000000, v3  }
0x29: {  	[tilespmem:s30+$0x4F00] =	vst v4;
	v4 =	vperm.xlane v4, v2;
	vm0 =	vlt.s32 v3, $0x1388  }
0x2a: {  	v63 =	vperm.xlane v3, v2;
	v5 =	vmpcnt.ones.xlane vm0  }
0x2b: {  	[tilespmem:s30+$0x6480] =	vst v3  }
0x2c: {  	[tilespmem:s30+$0x7A00] =	vst v4;
	v3 =	vadd.s32 $0xFFFFEC78, v63;
	(v2sf) =	vpush v5, $0x0  }
0x2d: {  	s21 =	simm.s32 $0x10;
	[tilespmem:s30+$0x8F80] =	vst v3  }
0x2e: {  	v3 =	vld [tilespmem:s21+$0x2780]  }
0x2f: {  	v4 =	vld [tilespmem:s21+$0x0];
	_ =	sdelay $0x3  }
0x30: {  	v3 =	vxor.u32 $0x80000000, v3  }
0x31: {  	(xrf1) =	vsort.ascd.msk.u32 $0xffff, v3, v4;
	_ =	sdelay $0x6  }
0x32: {  	s31 =	spop (v2sf)  }
0x33: {  	s20 =	sadd.s32 $0x0, s31;
	s21 =	ssub.s32 $0x0, s31  }
0x34: {  	p0 =	slt.s32 s20, $0x1500;
	s21 =	sadd.s32 $0x10, s21  }
0x35: {  	s22 =	simm.s32 $0x80;
	s20 =	simm.s32 @!p0 $0x1500;
	p1 =	slt.s32 s21, $0x1500  }
.LBB2_4:
0x36: {  	p0 =	sne.s32 s22, $0x9C00  }
0x37: {  	s21 =	simm.s32 @!p1 $0x1500;
	s23 =	smov.u32 s22;
	s22 =	sadd.s32 $0x40, s22  }
0x38: {  	_ = 	snop  }
0x39: {  	v3, v4, _ =	vpop (xrf1)  }
0x3a: {  	v3 =	vxor.u32 $0x80000000, v3;
	[tilespmem:s20+$0x4F00] =	vst v4;
	v4 =	vperm.xlane v4, v2  }
0x3b: {  	vm0 =	vlt.s32 v3, $0x1388;
	[tilespmem:s20+$0x6480] =	vst v3;
	v3 =	vperm.xlane v3, v2  }
0x3c: {  	v5 =	vmpcnt.ones.xlane vm0;
	[tilespmem:s21+$0x7A00] =	vst v4  }
0x3d: {  	v3 =	vadd.s32 $0xFFFFEC78, v3  }
0x3e: {  	s23 =	sshra.s32 s23, $0x2;
	[tilespmem:s21+$0x8F80] =	vst v3;
	(v2sf) =	vpush v5, $0x0  }
0x3f: {  	v3 =	vld [tilespmem:s23+$0x2780]  }
0x40: {  	v4 =	vld [tilespmem:s23+$0x0];
	_ =	sdelay $0x3  }
0x41: {  	v3 =	vxor.u32 $0x80000000, v3  }
0x42: {  	(xrf1) =	vsort.ascd.msk.u32 $0xffff, v3, v4;
	_ =	sdelay $0x6  }
.Ltmp1:
0x43: {  	(pc) =	sbr.rel @p0 .LBB2_4-.Ltmp1, $4  }
0x44: {  	s23 =	spop (v2sf)  }
0x45: {  	s20 =	sadd.s32 s20, s23;
	s21 =	ssub.s32 s21, s23  }
0x46: {  	p1 =	slt.s32 s20, $0x1500;
	s21 =	sadd.s32 $0x10, s21  }
0x47: {  	s20 =	simm.s32 @!p1 $0x1500;
	p1 =	slt.s32 s21, $0x1500  }
0x48: {  	_ =	sdelay $0x1  }
0x49: {  	v3, v4, _ =	vpop (xrf1)  }
0x4a: {  	v3 =	vxor.u32 $0x80000000, v3  }
0x4b: {  	vm0 =	vlt.s32 v3, $0x1388  }
0x4c: {  	v5 =	vmpcnt.ones.xlane vm0;
	_ =	sdelay $0x1  }
0x4d: {  	(v2sf) =	vpush v5, $0x0;
	_ =	sdelay $0xe  }
0x4e: {  	[tilespmem:s20+$0x4F00] =	vst v4;
	v4 =	vperm.xlane v4, v2;
	v63 =	vperm.xlane v3, v2;
	s22 =	spop (v2sf)  }
0x4f: {  	s21 =	simm.s32 @!p1 $0x1500;
	[tilespmem:s20+$0x6480] =	vst v3;
	s20 =	sadd.s32 s20, s22  }
0x50: {  	[tilespmem:s21+$0x7A00] =	vst v4;
	v3 =	vadd.s32 $0xFFFFEC78, v63;
	s22 =	ssub.s32 s21, s22;
	p0 =	slt.s32 s20, $0x1500  }
0x51: {  	[tilespmem:s21+$0x8F80] =	vst v3;
	s21 =	sadd.s32 $0x10, s22;
	s20 =	simm.s32 @!p0 $0x1500  }
0x52: {  	p0 =	slt.s32 s21, $0x1500;
	[tilespmem:s20+$0x4F00] =	vst v0  }
0x53: {  	s21 =	simm.s32 @!p0 $0x1500;
	[tilespmem:s20+$0x6480] =	vst v1  }
0x54: {  	[tilespmem:s21+$0x7A00] =	vst v0  }
0x55: {  	[tilespmem:s21+$0x8F80] =	vst v1  }
0x56: {  	[hbm4b:s5+s12] =	stream.strided.scatter [tilespmem:s14], [sflag:$0x2], $0x1500, s13, s12, $0x38;
	[tilespmem:$0xA500] =	vst v63  }
0x57: {  	_ = 	snop  }
0x58: {  	[hbm4b:s6+s12] =	stream.strided.scatter [tilespmem:s15], [sflag:$0x2], $0x1500, s13, s12, $0x38;
	[tilespmem:$0xA500] =	vst v63  }
0x59: {  	_ = 	snop  }
0x5a: {  	[hbm4b:s7+s12] =	stream.strided.scatter [tilespmem:s16], [sflag:$0x2], $0x1500, s13, s12, $0x38;
	[tilespmem:$0xA500] =	vst v63  }
0x5b: {  	_ = 	snop  }
0x5c: {  	[hbm4b:s8+s12] =	stream.strided.scatter [tilespmem:s17], [sflag:$0x2], $0x1500, s13, s12, $0x38;
	[tilespmem:$0xA500] =	vst v63  }
0x5d: {  	_ =	swait.ge [sflag:s18], $0x1500  }
0x5e: {  	[sflag:s18] =	ssyncset.done $0x0  }
0x5f: {  	[sflag:s18] =	ssyncadd.s32 $0xFFFFEB00  }
0x60: {  	_ =	swait.ge [sflag:s18], $0x1500  }
0x61: {  	[sflag:s18] =	ssyncset.done $0x0  }
0x62: {  	s19 =	sadd.s32 $0x1, s19;
	[sflag:s18] =	ssyncadd.s32 $0xFFFFEB00  }
0x63: {  	p0 =	sne.s32 s19, s9;
	_ =	swait.ge [sflag:s18], $0x1500  }
.Ltmp2:
0x64: {  	[sflag:s18] =	ssyncset.done $0x0;
	(pc) =	sbr.rel @p0 .LBB2_1-.Ltmp2, $4  }
0x65: {  	[sflag:s18] =	ssyncadd.s32 $0xFFFFEB00  }
0x66: {  	_ =	swait.ge [sflag:s18], $0x1500  }
0x67: {  	[sflag:s18] =	ssyncset.done $0x0  }
0x68: {  	[sflag:s18] =	ssyncadd.s32 $0xFFFFEB00  }
0x69: {  	_ =	sfence.sel $0x180000  }
0x6a: {  	[bflag:$0x0] =	sbarrier.arrive $0xFFFF  }
0x6b: {  	p0 =	sne.s32 s1, $0x0;
	_ =	strace $0x90000047  }
0x6c: {  	s0 =	sadd.s32 @!p0 $0x100000, s0;
	[bflag:$0x2] =	sbarrier.arrive $0xFFFF  }
0x6d: {  	[sflag:s0] =	ssyncadd.tile.s32 @!p0 $0x1;
	_ =	shalt  }
.Lfunc_end2:
_tile_overlayer_lowered:
.L_overlay_start_2:
0x6e: {  	(tag) =	ssettag $0x2  }
0x6f: {  	s0 =	rddreg [dreg:$0x0];
	s2 =	stileid.u32  }
0x70: {  	s1 =	rddreg [dreg:$0x1];
	p0 =	sne.s32 s2, $0x0  }
0x71: {  	s3 =	rddreg [dreg:$0x2];
	[bflag:$0x3] =	sbarrier.arrive $0xFFFF;
	s2 =	simm.s32 @!p0 $0x1C03  }
0x72: {  	[timem:s3], [sflag:s2] =	dma.local @!p0 [hbm:s0], s1  }
0x73: {  	s0 =	simm.s32 @!p0 $0x3  }
0x74: {  	_ =	swait.ge @!p0 [sflag:s0], s1  }
0x75: {  	s1 =	ssub.s32 @!p0 $0x0, s1;
	[sflag:s0] =	ssyncset.done @!p0 $0x0  }
0x76: {  	[sflag:s0] =	ssyncadd.s32 @!p0 s1  }
0x77: {  	[bflag:$0x3] =	sbarrier.arrive $0xFFFF  }
0x78: {  	_ =	shalt  }

// kernel: kernel.8.cloned.1.call-start
scs
__scs_entry_jumppad:
0x0: {  	(pc) =	sbr.rel $0x88, $3  }
0x1: {  	(tag) =	ssettag $0x0;
	lr =	simm.s32 $0x1  }
0x2: {  	[smem:$0x3F9D] =	sst lr;
	_ =	strace $0xD0000000  }
0x3: {  	_ = 	snop  }
0x4: {  	_ = 	snop  }
0x5: {  	_ = 	snop  }
0x6: {  	_ = 	snop  }
0x7: {  	_ = 	snop  }
__scs_overlays_trampoline_lowered:
0x8: {  	[smem:$0x3FAC] =	sst s0  }
0x9: {  	[smem:$0x3FAD] =	sst s1  }
0xa: {  	[smem:$0x3FAE] =	sst s2  }
0xb: {  	[smem:$0x3FAF] =	sst s3  }
0xc: {  	[smem:$0x3FB0] =	sst s4  }
0xd: {  	[smem:$0x3FB1] =	sst s5  }
0xe: {  	[smem:$0x3FB2] =	sst s6  }
0xf: {  	[smem:$0x3FB3] =	sst s7  }
0x10: {  	[smem:$0x3FB4] =	sst s8  }
0x11: {  	[smem:$0x3FB5] =	sst s9;
	s0 =	simm.s32 @!p0 $0x0  }
0x12: {  	s1 =	sld [smem:$0x3F9B];
	s0 =	simm.s32 @p0 $0x1  }
0x13: {  	[smem:$0x3FB6] =	sst s0;
	s0 =	simm.s32 @!p1 $0x0  }
0x14: {  	s2 =	sld [smem:$0x3F9A];
	s0 =	simm.s32 @p1 $0x1  }
0x15: {  	[smem:$0x3FB7] =	sst s0;
	s0 =	simm.s32 @!p2 $0x0  }
0x16: {  	s3 =	sld [smem:$0x3FDB];
	s0 =	simm.s32 @p2 $0x1  }
0x17: {  	s4 =	simm.s32 $0x1BF5;
	[smem:$0x3FB9] =	sst s0  }
0x18: {  	s0 =	sld [smem:$0x3F9C];
	_ =	swait.ge [sflag:s4], $0x0  }
0x19: {  	s7 =	sld [smem:$0x3F9D]  }
0x1a: {  	s8 =	sadd.s32 $0xFFFFE003, lr  }
0x1b: {  	s9 =	sadd.s32 $0xFFFFFEF7, lr;
	s5 =	simm.s32 $0xFFFFFFFF;
	p2 =	slt.u32 s8, $0xFFFFF086  }
0x1c: {  	p1 =	slt.u32 s9, $0xF7A;
	s5 =	simm.s32 @!p2 $0x0  }
0x1d: {  	s5 =	simm.s32 @p1 $0x1;
	p0 =	seq.s32 s7, s2  }
0x1e: {  	s7 =	smul.u32 @!p0 $0xF7A, s2;
	p2 =	seq.s32 @!p0 s5, $0x0  }
0x1f: {  	s9 =	smul.u32 $0xF7A, s1;
	s8 =	simm.s32 @!p0 $0x1BF5;
	p2 =	por !p2, p0  }
0x20: {  	[sflag:s8] =	ssyncset.s32 @!p0 $0xFFFFF086;
	s6 =	sadd.s32 @!p0 s3, s7;
	s7 =	simm.s32 @!p0 $0x108  }
0x21: {  	s3 =	sadd.s32 s3, s9;
	s6 =	sadd.s32 @!p0 $0x88, s6;
	s7 =	simm.s32 @p2 $0x1082  }
0x22: {  	[simem:s7], [sflag:s8] =	dma.local @!p0 [hbm:s6], $0xF7A  }
0x23: {  	s9 =	sor.u32 $0xD0000000, s2;
	s6 =	simm.s32 $0x108;
	_ =	swait.ge @!p0 [sflag:s8], $0x0  }
0x24: {  	s3 =	sadd.s32 $0x88, s3;
	s6 =	simm.s32 @!p1 $0x1082;
	[sflag:s4] =	ssyncset.s32 $0xFFFFF086  }
0x25: {  	[simem:s6], [sflag:s4] =	dma.local [hbm:s3], $0xF7A  }
0x26: {  	[smem:$0x3F9D] =	sst s1;
	(tag) =	ssettag s2;
	_ =	strace s9  }
0x27: {  	s1 =	sld [smem:$0x3FAD]  }
0x28: {  	s2 =	sld [smem:$0x3FAE]  }
0x29: {  	s4 =	sld [smem:$0x3FB0]  }
0x2a: {  	p0 =	seq.s32 s5, $0x0;
	s5 =	sld [smem:$0x3FB1]  }
0x2b: {  	s6 =	sld [smem:$0x3FB2]  }
0x2c: {  	s7 =	sld [smem:$0x3FB3]  }
0x2d: {  	s3 =	simm.s32 $0x108;
	s8 =	sld [smem:$0x3FB4]  }
0x2e: {  	s3 =	simm.s32 @!p0 $0x1082;
	s9 =	sld [smem:$0x3FB5]  }
0x2f: {  	lr =	sadd.s32 s0, s3;
	s0 =	sld [smem:$0x3FAC]  }
0x30: {  	s3 =	sld [smem:$0x3FAF]  }
0x31: {  	[smem:$0x3FB8] =	sst s10  }
0x32: {  	s10 =	sld [smem:$0x3FB6];
	_ =	sdelay $0x3  }
0x33: {  	p0 =	seq.s32 s10, $0x1;
	s10 =	sld [smem:$0x3FB8];
	_ =	sdelay $0x3  }
0x34: {  	[smem:$0x3FB8] =	sst s10  }
0x35: {  	s10 =	sld [smem:$0x3FB7];
	_ =	sdelay $0x3  }
0x36: {  	p1 =	seq.s32 s10, $0x1;
	s10 =	sld [smem:$0x3FB8];
	_ =	sdelay $0x3  }
0x37: {  	[smem:$0x3FB8] =	sst s10  }
0x38: {  	s10 =	sld [smem:$0x3FB9]  }
0x39: {  	_ = 	snop;
	(pc) =	sbr.ind lr, $3  }
0x3a: {  	_ = 	snop  }
0x3b: {  	_ = 	snop  }
0x3c: {  	p2 =	seq.s32 s10, $0x1;
	s10 =	sld [smem:$0x3FB8]  }
0x3d: {  	_ =	shalt  }
0x3e: {  	_ =	shalt  }
0x3f: {  	_ =	shalt  }
0x40: {  	_ =	shalt  }
0x41: {  	_ =	shalt  }
0x42: {  	_ =	shalt  }
0x43: {  	_ =	shalt  }
0x44: {  	_ =	shalt  }
0x45: {  	_ =	shalt  }
0x46: {  	_ =	shalt  }
0x47: {  	_ =	shalt  }
0x48: {  	_ =	shalt  }
0x49: {  	_ =	shalt  }
0x4a: {  	_ =	shalt  }
0x4b: {  	_ =	shalt  }
0x4c: {  	_ =	shalt  }
0x4d: {  	_ =	shalt  }
0x4e: {  	_ =	shalt  }
0x4f: {  	_ =	shalt  }
0x50: {  	_ =	shalt  }
0x51: {  	_ =	shalt  }
0x52: {  	_ =	shalt  }
0x53: {  	_ =	shalt  }
0x54: {  	_ =	shalt  }
0x55: {  	_ =	shalt  }
0x56: {  	_ =	shalt  }
0x57: {  	_ =	shalt  }
0x58: {  	_ =	shalt  }
0x59: {  	_ =	shalt  }
0x5a: {  	_ =	shalt  }
0x5b: {  	_ =	shalt  }
0x5c: {  	_ =	shalt  }
0x5d: {  	_ =	shalt  }
0x5e: {  	_ =	shalt  }
0x5f: {  	_ =	shalt  }
0x60: {  	_ =	shalt  }
0x61: {  	_ =	shalt  }
0x62: {  	_ =	shalt  }
0x63: {  	_ =	shalt  }
0x64: {  	_ =	shalt  }
0x65: {  	_ =	shalt  }
0x66: {  	_ =	shalt  }
0x67: {  	_ =	shalt  }
0x68: {  	_ =	shalt  }
0x69: {  	_ =	shalt  }
0x6a: {  	_ =	shalt  }
0x6b: {  	_ =	shalt  }
0x6c: {  	_ =	shalt  }
0x6d: {  	_ =	shalt  }
0x6e: {  	_ =	shalt  }
0x6f: {  	_ =	shalt  }
0x70: {  	_ =	shalt  }
0x71: {  	_ =	shalt  }
0x72: {  	_ =	shalt  }
0x73: {  	_ =	shalt  }
0x74: {  	_ =	shalt  }
0x75: {  	_ =	shalt  }
0x76: {  	_ =	shalt  }
0x77: {  	_ =	shalt  }
0x78: {  	_ =	shalt  }
0x79: {  	_ =	shalt  }
0x7a: {  	_ =	shalt  }
0x7b: {  	_ =	shalt  }
0x7c: {  	_ =	shalt  }
0x7d: {  	_ =	shalt  }
0x7e: {  	_ =	shalt  }
0x7f: {  	_ =	shalt  }
0x80: {  	_ =	shalt  }
0x81: {  	_ =	shalt  }
0x82: {  	_ =	shalt  }
0x83: {  	_ =	shalt  }
0x84: {  	_ =	shalt  }
0x85: {  	_ =	shalt  }
0x86: {  	_ =	shalt  }
0x87: {  	_ =	shalt  }
.Lfunc_end0:
.L_simem_size_0:
called_computation.1_lowered:
.L_overlay_start_0:
0x88: {  	s2 =	sld [smem:$0x3FD9]  }
0x89: {  	s3 =	sld [smem:$0x3FFE];
	_ =	sdelay $0x1  }
0x8a: {  	s1 =	srdreg.scid  }
0x8b: {  	s0 =	sand.u32 $0x1, s1  }
0x8c: {  	s17 =	sshll.u32 s0, $0xA;
	s2 =	sadd.s32 s3, s2  }
0x8d: {  	s2 =	sadd.s32 s2, s17  }
0x8e: {  	[smem:$0x3FC4] =	sst s2  }
0x8f: {  	_ = 	snop  }
0x90: {  	s2 =	sld [smem:$0x3FC9]  }
0x91: {  	s18 =	sld [smem:$0x3FD0];
	(tm) =	ssettm $0x1  }
0x92: {  	s4 =	sld [smem:$0x3FFB];
	_ =	sdelay $0x3  }
0x93: {  	_ =	strace s4  }
0x94: {  	s4 =	sld [smem:$0x3FFC];
	_ =	sdelay $0x3  }
0x95: {  	_ =	strace s4  }
0x96: {  	s4 =	sld [smem:$0x3FFD];
	_ =	sdelay $0x3  }
0x97: {  	_ =	strace s4  }
0x98: {  	_ =	strace $0x8FFFFFFF  }
0x99: {  	s19 =	sld [smem:$0x3FDB];
	_ =	sdelay $0x1  }
0x9a: {  	s5 =	simm.s32 $_scs_section_size  }
0x9b: {  	s6 =	simm.s32 $_size__tile_overlayer_lowered;
	s7 =	simm.s32 $_tile_overlayer_lowered  }
0x9c: {  	s22 =	simm.s32 $0x1BFF;
	s21 =	sshll.u32 s7, $0x1;
	s4 =	sadd.s32 s5, s19  }
0x9d: {  	s8 =	simm.s32 $0x0;
	s20 =	sshll.u32 s6, $0x1;
	s6 =	sadd.s32 s21, s4  }
0x9e: {  	[timem:s8], [sflag:s22] =	dma.local [hbm:s6], s20  }
0x9f: {  	_ =	swait.ge [sflag:s22], s20  }
0xa0: {  	s5 =	ssub.s32 $0x0, s20;
	[sflag:s22] =	ssyncset.done $0x0  }
0xa1: {  	[sflag:s22] =	ssyncadd.s32 s5;
	_ =	sdelay $0x1  }
0xa2: {  	s23 =	simm.s32 $0x1B8B  }
0xa3: {  	_ =	swait.ge [sflag:s23], $0x1  }
0xa4: {  	[sflag:s23] =	ssyncset.done $0x0  }
0xa5: {  	s25 =	simm.s32 $0x1B8E;
	s24 =	sld [smem:$0x3FFE];
	[sflag:s23] =	ssyncadd.s32 $0xFFFFFFFF  }
0xa6: {  	s26 =	simm.s32 $execute0_lowered;
	[smem:$0x3FD2] =	sst s25  }
0xa7: {  	s6 =	sshll.u32 s26, $0x1;
	_ =	strace $0x80000049;
	[dreg:$0x1] =	wrdreg $0xFFFFFFFF  }
0xa8: {  	s28 =	simm.s32 $_size_execute0_lowered;
	s4 =	sadd.s32 s4, s6;
	[dreg:$0x0] =	wrdreg $0x0  }
0xa9: {  	s6 =	sshll.u32 s28, $0x1;
	[dreg:$0x2] =	wrdreg s4  }
0xaa: {  	[dreg:$0x3] =	wrdreg s6  }
0xab: {  	[dreg:$0x4] =	wrdreg $0xC0  }
0xac: {  	_ =	task [dreg:s8], $0x5FFFF  }
0xad: {  	[dreg:$0x1] =	wrdreg $0xFFFFFFFF  }
0xae: {  	[dreg:$0x0] =	wrdreg $0x60  }
0xaf: {  	[dreg:$0x2] =	wrdreg s2  }
0xb0: {  	[dreg:$0x3] =	wrdreg s24  }
0xb1: {  	[dreg:$0x4] =	wrdreg s18  }
0xb2: {  	[dreg:$0x5] =	wrdreg $0x158000  }
0xb3: {  	[dreg:$0x6] =	wrdreg $0x9  }
0xb4: {  	_ =	task.clear_ibuf [dreg:s8], $0x7FFFF;
	_ =	strace $0x90000049  }
0xb5: {  	s29 =	simm.s32 $0x9;
	_ =	strace $0x8000004B  }
0xb6: {  	_ =	swait.ge [sflag:s29], $0x1  }
0xb7: {  	[sflag:s29] =	ssyncadd.s32 $0xFFFFFFFF  }
0xb8: {  	_ =	strace $0x9000004B  }
0xb9: {  	_ =	sfence  }
0xba: {  	s30 =	sld [smem:$0x0];
	_ =	sdelay $0x2  }
0xbb: {  	s31 =	sshll.u32 s1, $0xD;
	s1 =	sshrl.u32 s1, $0x2  }
0xbc: {  	s3 =	sand.u32 $0x4000, s31;
	s1 =	sadd.s32 s1, s30  }
0xbd: {  	s0 =	sor.u32 s3, s0;
	s1 =	sshll.u32 s1, $0x11  }
0xbe: {  	s0 =	sor.u32 s1, s0  }
0xbf: {  	s0 =	sadd.s32 $0x8F2B, s0  }
0xc0: {  	[sflag:s0] =	ssyncadd.remote.s32 $0x1  }
0xc1: {  	_ =	sfence.sel $0xFFFF  }
0xc2: {  	[dreg:$0x0] =	wrdreg $0xFFFFFFFF;
	(pc) =	sbr.abs _section_cstart, $3  }
0xc3: {  	[dreg:$0x1] =	wrdreg $0xFFFFFFFF  }
0xc4: {  	_ =	task.clear_ibuf [dreg:s8], $0x2FFFF;
	_ =	strace $0x9FFFFFFF  }
0xc5: {  	(tm) =	ssettm $0x7FFFFFFF  }
tec
execute0_lowered:
.L_overlay_start_1:
0x0: {  	(tag) =	ssettag $0x1  }
0x1: {  	s1 =	rddreg [dreg:$0x0]  }
0x2: {  	s0 =	rddreg [dreg:$0x1]  }
0x3: {  	s2 =	rddreg [dreg:$0x2]  }
0x4: {  	s3 =	rddreg [dreg:$0x3]  }
0x5: {  	s5 =	srdreg.scid;
	s15 =	stileid.u32  }
0x6: {  	s4 =	simm.s32 $0x0;
	s18 =	simm.s32 $0x1;
	s19 =	simm.s32 $0x2  }
0x7: {  	s20 =	simm.s32 $0x3;
	s21 =	simm.s32 $0x4;
	s22 =	simm.s32 $0x80  }
0x8: {  	s23 =	simm.s32 $0x5800;
	s24 =	simm.s32 $0x9800;
	s29 =	simm.s32 $0x11800  }
0x9: {  	s30 =	simm.s32 $0x5;
	s31 =	simm.s32 $0x5400;
	s6 =	smul.u32 $0xA400, s15  }
0xa: {  	s16 =	simm.s32 $0x0;
	s5 =	sand.u32 $0x1, s5;
	s8 =	smul.u32 $0x29000, s15  }
0xb: {  	[smem:$0x7FF] =	sst s4;
	s9 =	sadd.s32 $0xC00, s0;
	s7 =	smul.u32 $0xA4000, s5  }
0xc: {  	s11 =	sadd.s32 $0xCC00, s0;
	s10 =	smul.u32 $0x30000, s5;
	s5 =	ssub.s32 $0x2, s5  }
0xd: {  	s12 =	smul.u32 $0x3000, s15;
	_ =	strace $0x8000004A;
	s25 =	sshrl.u32 s5, $0x1  }
0xe: {  	s8 =	sshrl.u32 s8, $0x2;
	s7 =	sadd.s32 s6, s7;
	s13 =	ssub.s32 s5, s25  }
0xf: {  	s14 =	sadd.s32 s8, s3;
	s26 =	sadd.s32 s12, s10;
	s6 =	sshrl.u32 s6, $0x3  }
0x10: {  	s5 =	sshll.u32 s15, $0x6;
	s15 =	simm.s32 $0x5580;
	s7 =	sshrl.u32 s7, $0x3  }
0x11: {  	s10 =	sshrl.u32 s26, $0x3;
	s6 =	sadd.s32 s2, s6;
	s13 =	smax.u32 s13, $0x1  }
0x12: {  	s14 =	sshrl.u32 s14, $0x3;
	s26 =	simm.s32 $0xD800;
	s2 =	simm.s32 $0x5500  }
0x13: {  	s0 =	sadd.s32 s7, s0;
	s7 =	sor.u32 $0x1C01, s5;
	s28 =	sadd.s32 $0x300, s10  }
0x14: {  	s8 =	sadd.s32 s9, s10;
	s10 =	sadd.s32 s11, s10;
	s9 =	sadd.s32 s9, s28  }
0x15: {  	s11 =	sadd.s32 s11, s28;
	s12 =	sadd.s32 $0x18C00, s0;
	s0 =	simm.s32 $0x5480  }
.LBB2_1:
0x16: {  	[spmem:s14], [sflag:s7] =	dma.local [hbm:s6], $0x1480  }
0x17: {  	[tilespmem:s4], [sflag:$0x2] =	stream.linear.gather [hbm4b:s8+s4], $0x1500, $0x38;
	[tilespmem:$0x1FC00] =	vst v63  }
0x18: {  	s17 =	simm.s32 $0x1500  }
0x19: {  	[tilespmem:s17], [sflag:$0x3] =	stream.linear.gather [hbm4b:s9+s4], $0x1500, $0x38;
	[tilespmem:$0x1FC00] =	vst v63  }
0x1a: {  	s28 =	simm.s32 $0x2C00  }
0x1b: {  	[tilespmem:s28], [sflag:$0x4] =	stream.linear.gather [hbm4b:s10+s4], $0x1500, $0x38;
	[tilespmem:$0x1FC00] =	vst v63  }
0x1c: {  	s25 =	simm.s32 $0x4100  }
0x1d: {  	[tilespmem:s25], [sflag:$0x1] =	stream.linear.gather [hbm4b:s11+s4], $0x1500, $0x38;
	[tilespmem:$0x1FC00] =	vst v63  }
0x1e: {  	_ =	swait.ge [sflag:s18], $0x1480  }
0x1f: {  	[sflag:s18] =	ssyncset.done $0x0  }
0x20: {  	[sflag:s18] =	ssyncadd.s32 $0xFFFFEB80  }
0x21: {  	_ =	swait.ge [sflag:s19], $0x1500  }
0x22: {  	[sflag:s19] =	ssyncset.done $0x0  }
0x23: {  	[sflag:s19] =	ssyncadd.s32 $0xFFFFEB00  }
0x24: {  	_ =	swait.ge [sflag:s20], $0x1500  }
0x25: {  	[sflag:s20] =	ssyncset.done $0x0  }
0x26: {  	[sflag:s20] =	ssyncadd.s32 $0xFFFFEB00  }
0x27: {  	_ =	swait.ge [sflag:s21], $0x1500  }
0x28: {  	[sflag:s21] =	ssyncset.done $0x0  }
0x29: {  	[sflag:s21] =	ssyncadd.s32 $0xFFFFEB00  }
0x2a: {  	_ =	swait.ge [sflag:s18], $0x1500  }
0x2b: {  	[sflag:s18] =	ssyncset.done $0x0  }
0x2c: {  	[sflag:s18] =	ssyncadd.s32 $0xFFFFEB00  }
0x2d: {  	[bflag:$0x0] =	sbarrier.arrive $0xFFFF  }
0x2e: {  	[tilespmem:s23], [sflag:$0x1] =	stream.indirect.gather [hbm4b:s1+s22], $0x80, s4, s22, $0xb8;
	[tilespmem:$0x1FC00] =	vst v63  }
0x2f: {  	_ = 	snop  }
0x30: {  	[tilespmem:s24], [sflag:$0x2] =	stream.indirect.gather [hbm4b:s1+s22], $0x80, s22, s22, $0xb8;
	[tilespmem:$0x1FC00] =	vst v63  }
0x31: {  	s28 =	simm.s32 $0x100  }
0x32: {  	[tilespmem:s26], [sflag:$0x3] =	stream.indirect.gather [hbm4b:s1+s22], $0x80, s28, s22, $0xb8;
	[tilespmem:$0x1FC00] =	vst v63  }
0x33: {  	s25 =	simm.s32 $0x180  }
0x34: {  	[tilespmem:s29], [sflag:$0x4] =	stream.indirect.gather [hbm4b:s1+s22], $0x80, s25, s22, $0xb8;
	[tilespmem:$0x1FC00] =	vst v63  }
0x35: {  	_ =	swait.ge [sflag:s18], $0x4000  }
0x36: {  	[sflag:s18] =	ssyncset.done $0x0  }
0x37: {  	s28 =	simm.s32 $0x2C00;
	[sflag:s18] =	ssyncadd.s32 $0xFFFFC000  }
0x38: {  	[spmem:s3] =	stream.indirect.scatter.add.f32 [tilespmem:s23], [sflag:$0x5], $0x80, s28, s22, $0xb8;
	[tilespmem:$0x1FC00] =	vst v63  }
0x39: {  	_ =	swait.ge [sflag:s30], $0x4000  }
0x3a: {  	[sflag:s30] =	ssyncset.done $0x0  }
0x3b: {  	s25 =	simm.s32 $0x200;
	[sflag:s30] =	ssyncadd.s32 $0xFFFFC000  }
0x3c: {  	[tilespmem:s23], [sflag:$0x1] =	stream.indirect.gather [hbm4b:s1+s22], $0x80, s25, s22, $0xb8;
	[tilespmem:$0x1FC00] =	vst v63  }
0x3d: {  	_ =	swait.ge [sflag:s19], $0x4000  }
0x3e: {  	[sflag:s19] =	ssyncset.done $0x0  }
0x3f: {  	s28 =	simm.s32 $0x2C80;
	[sflag:s19] =	ssyncadd.s32 $0xFFFFC000  }
0x40: {  	[spmem:s3] =	stream.indirect.scatter.add.f32 [tilespmem:s24], [sflag:$0x5], $0x80, s28, s22, $0xb8;
	[tilespmem:$0x1FC00] =	vst v63  }
0x41: {  	_ =	swait.ge [sflag:s30], $0x4000  }
0x42: {  	[sflag:s30] =	ssyncset.done $0x0  }
0x43: {  	s25 =	simm.s32 $0x280;
	[sflag:s30] =	ssyncadd.s32 $0xFFFFC000  }
0x44: {  	[tilespmem:s24], [sflag:$0x2] =	stream.indirect.gather [hbm4b:s1+s22], $0x80, s25, s22, $0xb8;
	[tilespmem:$0x1FC00] =	vst v63  }
0x45: {  	_ =	swait.ge [sflag:s20], $0x4000  }
0x46: {  	[sflag:s20] =	ssyncset.done $0x0  }
0x47: {  	s28 =	simm.s32 $0x2D00;
	[sflag:s20] =	ssyncadd.s32 $0xFFFFC000  }
0x48: {  	[spmem:s3] =	stream.indirect.scatter.add.f32 [tilespmem:s26], [sflag:$0x5], $0x80, s28, s22, $0xb8;
	[tilespmem:$0x1FC00] =	vst v63  }
0x49: {  	_ =	swait.ge [sflag:s30], $0x4000  }
0x4a: {  	[sflag:s30] =	ssyncset.done $0x0  }
0x4b: {  	s25 =	simm.s32 $0x300;
	[sflag:s30] =	ssyncadd.s32 $0xFFFFC000  }
0x4c: {  	[tilespmem:s26], [sflag:$0x3] =	stream.indirect.gather [hbm4b:s1+s22], $0x80, s25, s22, $0xb8;
	[tilespmem:$0x1FC00] =	vst v63  }
0x4d: {  	_ =	swait.ge [sflag:s21], $0x4000  }
0x4e: {  	[sflag:s21] =	ssyncset.done $0x0  }
0x4f: {  	s28 =	simm.s32 $0x2D80;
	[sflag:s21] =	ssyncadd.s32 $0xFFFFC000  }
0x50: {  	[spmem:s3] =	stream.indirect.scatter.add.f32 [tilespmem:s29], [sflag:$0x5], $0x80, s28, s22, $0xb8;
	[tilespmem:$0x1FC00] =	vst v63  }
0x51: {  	_ =	swait.ge [sflag:s30], $0x4000  }
0x52: {  	[sflag:s30] =	ssyncset.done $0x0  }
0x53: {  	s17 =	simm.s32 $0x800;
	s25 =	simm.s32 $0x380;
	[sflag:s30] =	ssyncadd.s32 $0xFFFFC000  }
.LBB2_2:
0x54: {  	[tilespmem:s29], [sflag:$0x4] =	stream.indirect.gather [hbm4b:s1+s22], $0x80, s25, s22, $0xb8;
	[tilespmem:$0x1FC00] =	vst v63  }
0x55: {  	s25 =	smov.u32 s17  }
0x56: {  	p0 =	sne.s32 s17, $0x9800;
	s17 =	sadd.s32 $0x800, s17;
	_ =	swait.ge [sflag:s18], $0x4000  }
0x57: {  	s25 =	sshra.s32 s25, $0x2;
	[sflag:s18] =	ssyncset.done $0x0  }
0x58: {  	s28 =	sadd.s32 $0x2C00, s25;
	[sflag:s18] =	ssyncadd.s32 $0xFFFFC000  }
0x59: {  	[spmem:s3] =	stream.indirect.scatter.add.f32 [tilespmem:s23], [sflag:$0x5], $0x80, s28, s22, $0xb8;
	[tilespmem:$0x1FC00] =	vst v63  }
0x5a: {  	_ =	swait.ge [sflag:s30], $0x4000  }
0x5b: {  	[sflag:s30] =	ssyncset.done $0x0  }
0x5c: {  	s28 =	sadd.s32 $0x200, s25;
	[sflag:s30] =	ssyncadd.s32 $0xFFFFC000  }
0x5d: {  	[tilespmem:s23], [sflag:$0x1] =	stream.indirect.gather [hbm4b:s1+s22], $0x80, s28, s22, $0xb8;
	[tilespmem:$0x1FC00] =	vst v63  }
0x5e: {  	_ =	swait.ge [sflag:s19], $0x4000  }
0x5f: {  	[sflag:s19] =	ssyncset.done $0x0  }
0x60: {  	s28 =	sadd.s32 $0x2C80, s25;
	[sflag:s19] =	ssyncadd.s32 $0xFFFFC000  }
0x61: {  	[spmem:s3] =	stream.indirect.scatter.add.f32 [tilespmem:s24], [sflag:$0x5], $0x80, s28, s22, $0xb8;
	[tilespmem:$0x1FC00] =	vst v63  }
0x62: {  	_ =	swait.ge [sflag:s30], $0x4000  }
0x63: {  	[sflag:s30] =	ssyncset.done $0x0  }
0x64: {  	s28 =	sadd.s32 $0x280, s25;
	[sflag:s30] =	ssyncadd.s32 $0xFFFFC000  }
0x65: {  	[tilespmem:s24], [sflag:$0x2] =	stream.indirect.gather [hbm4b:s1+s22], $0x80, s28, s22, $0xb8;
	[tilespmem:$0x1FC00] =	vst v63  }
0x66: {  	_ =	swait.ge [sflag:s20], $0x4000  }
0x67: {  	[sflag:s20] =	ssyncset.done $0x0  }
0x68: {  	s28 =	sadd.s32 $0x2D00, s25;
	[sflag:s20] =	ssyncadd.s32 $0xFFFFC000  }
0x69: {  	[spmem:s3] =	stream.indirect.scatter.add.f32 [tilespmem:s26], [sflag:$0x5], $0x80, s28, s22, $0xb8;
	[tilespmem:$0x1FC00] =	vst v63  }
0x6a: {  	_ =	swait.ge [sflag:s30], $0x4000  }
0x6b: {  	[sflag:s30] =	ssyncset.done $0x0  }
0x6c: {  	s28 =	sadd.s32 $0x300, s25;
	[sflag:s30] =	ssyncadd.s32 $0xFFFFC000  }
0x6d: {  	[tilespmem:s26], [sflag:$0x3] =	stream.indirect.gather [hbm4b:s1+s22], $0x80, s28, s22, $0xb8;
	[tilespmem:$0x1FC00] =	vst v63  }
0x6e: {  	_ =	swait.ge [sflag:s21], $0x4000  }
0x6f: {  	[sflag:s21] =	ssyncset.done $0x0  }
.Ltmp0:
0x70: {  	s28 =	sadd.s32 $0x2D80, s25;
	[sflag:s21] =	ssyncadd.s32 $0xFFFFC000;
	(pc) =	sbr.rel @p0 .LBB2_2-.Ltmp0, $4  }
0x71: {  	[spmem:s3] =	stream.indirect.scatter.add.f32 [tilespmem:s29], [sflag:$0x5], $0x80, s28, s22, $0xb8;
	[tilespmem:$0x1FC00] =	vst v63  }
0x72: {  	_ =	swait.ge [sflag:s30], $0x4000  }
0x73: {  	[sflag:s30] =	ssyncset.done $0x0  }
0x74: {  	s25 =	sadd.s32 $0x380, s25;
	[sflag:s30] =	ssyncadd.s32 $0xFFFFC000  }
0x75: {  	[tilespmem:s29], [sflag:$0x4] =	stream.indirect.gather [hbm4b:s1+s22], $0x80, s25, s22, $0xb8;
	[tilespmem:$0x1FC00] =	vst v63  }
0x76: {  	_ =	swait.ge [sflag:s18], $0x4000  }
0x77: {  	[sflag:s18] =	ssyncset.done $0x0  }
0x78: {  	[sflag:s18] =	ssyncadd.s32 $0xFFFFC000  }
0x79: {  	[spmem:s3] =	stream.indirect.scatter.add.f32 [tilespmem:s23], [sflag:$0x5], $0x80, s31, s22, $0xb8;
	[tilespmem:$0x1FC00] =	vst v63  }
0x7a: {  	_ =	swait.ge [sflag:s30], $0x4000  }
0x7b: {  	[sflag:s30] =	ssyncset.done $0x0  }
0x7c: {  	[sflag:s30] =	ssyncadd.s32 $0xFFFFC000  }
0x7d: {  	_ =	swait.ge [sflag:s19], $0x4000  }
0x7e: {  	[sflag:s19] =	ssyncset.done $0x0  }
0x7f: {  	[sflag:s19] =	ssyncadd.s32 $0xFFFFC000  }
0x80: {  	[spmem:s3] =	stream.indirect.scatter.add.f32 [tilespmem:s24], [sflag:$0x5], $0x80, s0, s22, $0xb8;
	[tilespmem:$0x1FC00] =	vst v63  }
0x81: {  	_ =	swait.ge [sflag:s30], $0x4000  }
0x82: {  	[sflag:s30] =	ssyncset.done $0x0  }
0x83: {  	[sflag:s30] =	ssyncadd.s32 $0xFFFFC000  }
0x84: {  	_ =	swait.ge [sflag:s20], $0x4000  }
0x85: {  	[sflag:s20] =	ssyncset.done $0x0  }
0x86: {  	[sflag:s20] =	ssyncadd.s32 $0xFFFFC000  }
0x87: {  	[spmem:s3] =	stream.indirect.scatter.add.f32 [tilespmem:s26], [sflag:$0x5], $0x80, s2, s22, $0xb8;
	[tilespmem:$0x1FC00] =	vst v63  }
0x88: {  	_ =	swait.ge [sflag:s30], $0x4000  }
0x89: {  	[sflag:s30] =	ssyncset.done $0x0  }
0x8a: {  	[sflag:s30] =	ssyncadd.s32 $0xFFFFC000  }
0x8b: {  	_ =	swait.ge [sflag:s21], $0x4000  }
0x8c: {  	[sflag:s21] =	ssyncset.done $0x0  }
0x8d: {  	[sflag:s21] =	ssyncadd.s32 $0xFFFFC000  }
0x8e: {  	[spmem:s3] =	stream.indirect.scatter.add.f32 [tilespmem:s29], [sflag:$0x5], $0x80, s15, s22, $0xb8;
	[tilespmem:$0x1FC00] =	vst v63  }
0x8f: {  	_ =	swait.ge [sflag:s30], $0x4000  }
0x90: {  	s16 =	sadd.s32 $0x1, s16;
	[sflag:s30] =	ssyncset.done $0x0  }
0x91: {  	p0 =	sne.s32 s16, s13;
	[sflag:s30] =	ssyncadd.s32 $0xFFFFC000  }
.Ltmp1:
0x92: {  	s17 =	sor.u32 $0x1C05, s5;
	[bflag:$0x0] =	sbarrier.arrive $0xFFFF;
	(pc) =	sbr.rel @p0 .LBB2_1-.Ltmp1, $4  }
0x93: {  	[hbm:s12], [sflag:s17] =	dma.local [spmem:s14], $0x1480  }
0x94: {  	_ =	swait.ge [sflag:s30], $0x1480  }
0x95: {  	[sflag:s30] =	ssyncset.done $0x0  }
0x96: {  	[sflag:s30] =	ssyncadd.s32 $0xFFFFEB80  }
0x97: {  	_ =	sfence.sel $0x180000  }
0x98: {  	[bflag:$0x0] =	sbarrier.arrive $0xFFFF  }
0x99: {  	_ =	strace $0x9000004A  }
0x9a: {  	s0 =	stileid.u32;
	[bflag:$0x2] =	sbarrier.arrive $0xFFFF  }
0x9b: {  	p0 =	sne.s32 s0, $0x0;
	s0 =	rddreg [dreg:$0x4]  }
0x9c: {  	s0 =	sadd.s32 @!p0 $0x100000, s0  }
0x9d: {  	[sflag:s0] =	ssyncadd.tile.s32 @!p0 $0x1;
	_ =	shalt  }
.Lfunc_end2:
_tile_overlayer_lowered:
.L_overlay_start_2:
0x9e: {  	(tag) =	ssettag $0x2  }
0x9f: {  	s0 =	rddreg [dreg:$0x0];
	s2 =	stileid.u32  }
0xa0: {  	s1 =	rddreg [dreg:$0x1];
	p0 =	sne.s32 s2, $0x0  }
0xa1: {  	s3 =	rddreg [dreg:$0x2];
	[bflag:$0x3] =	sbarrier.arrive $0xFFFF;
	s2 =	simm.s32 @!p0 $0x1C05  }
0xa2: {  	[timem:s3], [sflag:s2] =	dma.local @!p0 [hbm:s0], s1  }
0xa3: {  	s0 =	simm.s32 @!p0 $0x5  }
0xa4: {  	_ =	swait.ge @!p0 [sflag:s0], s1  }
0xa5: {  	s1 =	ssub.s32 @!p0 $0x0, s1;
	[sflag:s0] =	ssyncset.done @!p0 $0x0  }
0xa6: {  	[sflag:s0] =	ssyncadd.s32 @!p0 s1  }
0xa7: {  	[bflag:$0x3] =	sbarrier.arrive $0xFFFF  }
0xa8: {  	_ =	shalt  }

</sc_bundles>
